<compile_context>
chip_gen: v7x
topology: tpu7x:2x2x1
jax: 0.10.2.dev20260603
libtpu: 0.0.44.dev20260713+nightly
codegen_flags: <defaults>
</compile_context>

<pallas_src>
import functools

import jax
import jax.numpy as jnp
from jax import lax
from jax.experimental import pallas as pl
from jax.experimental.pallas import tpu as pltpu
from jax.experimental.pallas import tpu_sc as plsc

N, D, E, DFF = 8192, 768, 64, 1536
DP = D // 2
CAP = 160
NSLOT = E * CAP
TRASH = NSLOT
B = 2048
NB = N // B
NW = 32
TPW = N // NW
CH = 128
NCH = TPW // CH

_HI = -65536


def _pack_bf16_pair(a_f32, b_f32):
    ai = lax.bitcast_convert_type(a_f32, jnp.int32)
    bi = lax.bitcast_convert_type(b_f32, jnp.int32)
    pa = lax.shift_right_logical(ai + 0x8000, 16)
    pb = (bi + 0x8000) & _HI
    return pa | pb


def _unpack_lo(p):
    return lax.bitcast_convert_type(p << 16, jnp.float32)


def _unpack_hi(p):
    return lax.bitcast_convert_type(p & _HI, jnp.float32)


def _router_body(x_ref, wr_ref, scat_ref, gath_ref, scale_ref, xp_ref, counts_ref):
    step = pl.program_id(0)

    @pl.when(step == 0)
    def _():
        counts_ref[...] = jnp.zeros_like(counts_ref)

    x = x_ref[...]
    xp_ref[...] = _pack_bf16_pair(x[:, :DP], x[:, DP:])

    logitsT = lax.dot_general(
        wr_ref[...], x, (((0,), (1,)), ((), ())),
        preferred_element_type=jnp.float32,
    )
    m = jnp.max(logitsT, axis=0, keepdims=True)
    ssum = jnp.sum(jnp.exp(logitsT - m), axis=0, keepdims=True)
    gate = 1.0 / ssum

    row = lax.broadcasted_iota(jnp.int32, (E, B), 0)
    e_idx = jnp.min(jnp.where(logitsT == m, row, E), axis=0, keepdims=True)
    onehotT = (row == e_idx).astype(jnp.bfloat16)

    r_io = lax.broadcasted_iota(jnp.int32, (B, B), 0)
    c_io = lax.broadcasted_iota(jnp.int32, (B, B), 1)
    triu = (r_io <= c_io).astype(jnp.bfloat16)
    csumT = jnp.dot(onehotT, triu, preferred_element_type=jnp.float32)
    onehot_f = onehotT.astype(jnp.float32)
    rank_incl = jnp.sum(csumT * onehot_f, axis=0, keepdims=True)
    base = jnp.dot(counts_ref[...], onehot_f, preferred_element_type=jnp.float32)
    counts_ref[...] = counts_ref[...] + csumT[:, B - 1 : B].reshape(1, E)

    pos = base + rank_incl - 1.0
    keep = pos < CAP
    clipped = jnp.minimum(pos, CAP - 1.0).astype(jnp.int32)
    gath = e_idx * CAP + clipped
    scat = jnp.where(keep, gath, TRASH)

    scat_ref[...] = scat.reshape(1, 1, B)
    gath_ref[...] = gath.reshape(1, 1, B)
    scale_ref[...] = jnp.where(keep, gate, 0.0).reshape(1, 1, B)


def _router(x, w_router):
    return pl.pallas_call(
        _router_body,
        grid=(NB,),
        in_specs=[
            pl.BlockSpec((B, D), lambda i: (i, 0)),
            pl.BlockSpec((D, E), lambda i: (0, 0)),
        ],
        out_specs=[
            pl.BlockSpec((1, 1, B), lambda i: (i, 0, 0)),
            pl.BlockSpec((1, 1, B), lambda i: (i, 0, 0)),
            pl.BlockSpec((1, 1, B), lambda i: (i, 0, 0)),
            pl.BlockSpec((B, DP), lambda i: (i, 0)),
        ],
        out_shape=[
            jax.ShapeDtypeStruct((NB, 1, B), jnp.int32),
            jax.ShapeDtypeStruct((NB, 1, B), jnp.int32),
            jax.ShapeDtypeStruct((NB, 1, B), jnp.float32),
            jax.ShapeDtypeStruct((N, DP), jnp.int32),
        ],
        scratch_shapes=[pltpu.VMEM((1, E), jnp.float32)],
        compiler_params=pltpu.CompilerParams(
            dimension_semantics=("arbitrary",)
        ),
    )(x, w_router)


@functools.cache
def _sc_mesh():
    return plsc.VectorSubcoreMesh(
        core_axis_name="c", subcore_axis_name="s", num_cores=2, num_subcores=16
    )


@functools.cache
def _make_dispatch():
    @functools.partial(
        pl.kernel,
        out_type=jax.ShapeDtypeStruct((NSLOT + 8, DP), jnp.int32),
        mesh=_sc_mesh(),
        scratch_types=[
            pltpu.VMEM((NCH, CH), jnp.int32),
            pltpu.VMEM((CH, DP), jnp.int32),
            pltpu.VMEM((CH, DP), jnp.int32),
            pltpu.SemaphoreType.DMA,
            pltpu.SemaphoreType.DMA,
        ],
    )
    def _dispatch(xp_hbm, idx_hbm, disp_hbm, idx_v, xb0, xb1, sem0, sem1):
        wid = lax.axis_index("s") * 2 + lax.axis_index("c")
        pltpu.sync_copy(idx_hbm.at[pl.ds(wid * NCH, NCH)], idx_v)
        pltpu.sync_copy(xp_hbm.at[pl.ds(wid * TPW, CH)], xb0)
        cp0 = pltpu.async_copy(xb0, disp_hbm.at[idx_v.at[0]], sem0)
        pltpu.sync_copy(xp_hbm.at[pl.ds(wid * TPW + CH, CH)], xb1)
        cp1 = pltpu.async_copy(xb1, disp_hbm.at[idx_v.at[1]], sem1)
        cp0.wait()
        cp1.wait()

    return _dispatch


def _ffn_body(d_ref, wi_ref, wo_ref, y_ref):
    d = d_ref[...]
    da = _unpack_lo(d)
    db = _unpack_hi(d)
    wi = wi_ref[0]
    h = jnp.maximum(
        jnp.dot(da, wi[:DP], preferred_element_type=jnp.float32)
        + jnp.dot(db, wi[DP:], preferred_element_type=jnp.float32),
        0.0,
    )
    y = jnp.dot(h, wo_ref[0], preferred_element_type=jnp.float32)
    y_ref[...] = _pack_bf16_pair(y[:, :DP], y[:, DP:])


def _ffn(disp, w_in, w_out):
    return pl.pallas_call(
        _ffn_body,
        grid=(E,),
        in_specs=[
            pl.BlockSpec((CAP, DP), lambda e: (e, 0)),
            pl.BlockSpec((1, D, DFF), lambda e: (e, 0, 0)),
            pl.BlockSpec((1, DFF, D), lambda e: (e, 0, 0)),
        ],
        out_specs=pl.BlockSpec((CAP, DP), lambda e: (e, 0)),
        out_shape=jax.ShapeDtypeStruct((NSLOT, DP), jnp.int32),
        compiler_params=pltpu.CompilerParams(
            dimension_semantics=("parallel",)
        ),
    )(disp, w_in, w_out)


@functools.cache
def _make_combine():
    @functools.partial(
        pl.kernel,
        out_type=jax.ShapeDtypeStruct((N, DP), jnp.int32),
        mesh=_sc_mesh(),
        scratch_types=[
            pltpu.VMEM((NCH, CH), jnp.int32),
            pltpu.VMEM((CH, DP), jnp.int32),
            pltpu.VMEM((CH, DP), jnp.int32),
            pltpu.SemaphoreType.DMA,
            pltpu.SemaphoreType.DMA,
        ],
    )
    def _combine(y_hbm, idx_hbm, out_hbm, idx_v, yb0, yb1, sem0, sem1):
        wid = lax.axis_index("s") * 2 + lax.axis_index("c")
        pltpu.sync_copy(idx_hbm.at[pl.ds(wid * NCH, NCH)], idx_v)
        g0 = pltpu.async_copy(y_hbm.at[idx_v.at[0]], yb0, sem0)
        g1 = pltpu.async_copy(y_hbm.at[idx_v.at[1]], yb1, sem1)
        g0.wait()
        pltpu.sync_copy(yb0, out_hbm.at[pl.ds(wid * TPW, CH)])
        g1.wait()
        pltpu.sync_copy(yb1, out_hbm.at[pl.ds(wid * TPW + CH, CH)])

    return _combine


def _finish_body(g_ref, s_ref, o_ref):
    g = g_ref[...]
    s = s_ref[...].reshape(B, 1)
    o_ref[:, :DP] = _unpack_lo(g) * s
    o_ref[:, DP:] = _unpack_hi(g) * s


def _finish(gathered, scale):
    return pl.pallas_call(
        _finish_body,
        grid=(NB,),
        in_specs=[
            pl.BlockSpec((B, DP), lambda i: (i, 0)),
            pl.BlockSpec((1, 1, B), lambda i: (i, 0, 0)),
        ],
        out_specs=pl.BlockSpec((B, D), lambda i: (i, 0)),
        out_shape=jax.ShapeDtypeStruct((N, D), jnp.float32),
    )(gathered, scale)


def kernel(x, w_router, w_in, w_out):
    scat, gath, scale, xp = _router(x, w_router)
    scat = scat.reshape(NW * NCH, CH)
    gath = gath.reshape(NW * NCH, CH)
    disp = _make_dispatch()(xp, scat)
    y = _ffn(disp, w_in, w_out)
    gathered = _make_combine()(y, gath)
    return _finish(gathered, scale)

# --- scband reference (transcript-rebuilt; emitter-appended) ---
"""Pipeline reference for scband-routed-experts-33844342292709 (READ-ONLY COPY).

The authoritative reference and input builder live on the scoring server;
editing this copy changes nothing except your own understanding.
"""

import jax, jax.numpy as jnp
import numpy as np

N, D, E, DFF, TOPK = 8192, 768, 64, 1536, 1
CAP = int(N * TOPK / E * 1.25)  # 160 slots per expert


def setup_inputs(seed: int = 0) -> dict:
    key = jax.random.key(seed)
    k1, k2, k3, k4 = jax.random.split(key, 4)
    x = jax.random.normal(k1, (N, D), dtype=jnp.float32)
    w_router = jax.random.normal(k2, (D, E), dtype=jnp.float32) * (1.0 / np.sqrt(D))
    w_in = jax.random.normal(k3, (E, D, DFF), dtype=jnp.float32) * (1.0 / np.sqrt(D))
    w_out = jax.random.normal(k4, (E, DFF, D), dtype=jnp.float32) * (1.0 / np.sqrt(DFF))
    return {"x": x, "w_router": w_router, "w_in": w_in, "w_out": w_out}


def reference(x, w_router, w_in, w_out):
    n, d = x.shape
    e = w_router.shape[1]
    cap = CAP
    # --- routing ---
    logits = x @ w_router                                  # [n, e]
    probs = jax.nn.softmax(logits, axis=-1)
    gate, expert_idx = jax.lax.top_k(probs, TOPK)          # [n, k]
    flat_idx = expert_idx.reshape(-1)                      # [n*k] int32
    flat_gate = gate.reshape(-1)                           # [n*k]
    # --- capacity-based position assignment (Switch-style) ---
    onehot = jax.nn.one_hot(flat_idx, e, dtype=jnp.int32)  # [n*k, e]
    pos_in_expert = (jnp.cumsum(onehot, axis=0) * onehot).sum(-1) - 1  # [n*k]
    keep = pos_in_expert < cap
    pos = jnp.clip(pos_in_expert, 0, cap - 1)
    # --- dispatch: scatter tokens into per-expert buffers ---
    x_rep = jnp.repeat(x, TOPK, axis=0)                    # [n*k, d]
    dispatched = jnp.zeros((e, cap, d), dtype=x.dtype).at[flat_idx, pos].add(
        jnp.where(keep[:, None], x_rep, 0.0))              # [e, cap, d]
    # --- expert FFNs ---
    h = jax.nn.relu(jnp.einsum('ecd,edf->ecf', dispatched, w_in))  # [e, cap, dff]
    y = jnp.einsum('ecf,efd->ecd', h, w_out)               # [e, cap, d]
    # --- combine: gather back to token order, gate-weight, drop overflow ---
    tok_out = y[flat_idx, pos] * jnp.where(keep, flat_gate, 0.0)[:, None]  # [n*k, d]
    out = tok_out.reshape(n, TOPK, d).sum(axis=1)          # [n, d]
    return out

if __name__ == "__main__":
    import jax
    _d = setup_inputs()
    print(jax.jit(kernel)(*tuple(_d.values())))

</pallas_src>

<mosaic_0001>
#map = affine_map<(d0, d1) -> (0, 0)>
module attributes {stable_mosaic.version = 14 : i64} {
  func.func @_dispatch(%arg0: i32, %arg1: i32, %arg2: memref<8192x384xi32, #tpu.memory_space<hbm>>, %arg3: memref<64x128xi32, #tpu.memory_space<hbm>>, %arg4: memref<10248x384xi32, #tpu.memory_space<hbm>>, %arg5: memref<2x128xi32, #tpu.memory_space<vmem>>, %arg6: memref<128x384xi32, #tpu.memory_space<vmem>>, %arg7: memref<128x384xi32, #tpu.memory_space<vmem>>, %arg8: memref<!tpu.dma_semaphore, #tpu.memory_space<semaphore_mem>>, %arg9: memref<!tpu.dma_semaphore, #tpu.memory_space<semaphore_mem>>) attributes {dimension_semantics = [#tpu.dimension_semantics<core_parallel>, #tpu.dimension_semantics<subcore_parallel>], iteration_bounds = array<i64: 2, 16>, scalar_prefetch = 0 : i64, scratch_operands = 5 : i64, tpu.core_type = #tpu.core_type<sc_vector_subcore>, window_params = [{transform_indices = #map}, {transform_indices = #map}, {transform_indices = #map}]} {
    %mul3A = arith.constant 2 : i32
    %mul3A_0 = arith.muli %arg1, %mul3A : i32
    %add3A = arith.addi %mul3A_0, %arg0 : i32
    %mul3A_1 = arith.constant 2 : i32
    %mul3A_2 = arith.muli %add3A, %mul3A_1 : i32
    "tpu.region"() ({
      %run_scoped3A = tpu.sem_alloc : memref<!tpu.dma_semaphore, #tpu.memory_space<semaphore_mem>>
      %dma_start3A_35 = arith.constant 0 : i32
      %dma_start3A_36 = tpu.memref_slice %arg3[%mul3A_2, %dma_start3A_35] : memref<64x128xi32, #tpu.memory_space<hbm>> -> memref<2x128xi32, #tpu.memory_space<hbm>>
      %dma_start3A_37 = arith.constant 0 : i32
      %dma_start3A_38 = tpu.memref_slice %arg3[%mul3A_2, %dma_start3A_37] : memref<64x128xi32, #tpu.memory_space<hbm>> -> memref<2x128xi32, #tpu.memory_space<hbm>>
      tpu.enqueue_dma source(%dma_start3A_38 : memref<2x128xi32, #tpu.memory_space<hbm>>) target(%arg5 : memref<2x128xi32, #tpu.memory_space<vmem>>) target_semaphore(%run_scoped3A : memref<!tpu.dma_semaphore, #tpu.memory_space<semaphore_mem>>)
      %dma_wait3A_39 = arith.constant 0 : i32
      %dma_wait3A_40 = tpu.memref_slice %arg3[%mul3A_2, %dma_wait3A_39] : memref<64x128xi32, #tpu.memory_space<hbm>> -> memref<2x128xi32, #tpu.memory_space<hbm>>
      %dma_wait3A_41 = arith.constant 0 : i32
      %dma_wait3A_42 = tpu.memref_slice %arg3[%mul3A_2, %dma_wait3A_41] : memref<64x128xi32, #tpu.memory_space<hbm>> -> memref<2x128xi32, #tpu.memory_space<hbm>>
      tpu.wait_dma2 semaphore(%run_scoped3A : memref<!tpu.dma_semaphore, #tpu.memory_space<semaphore_mem>>) src(%dma_wait3A_42 : memref<2x128xi32, #tpu.memory_space<hbm>>) dst(%arg5 : memref<2x128xi32, #tpu.memory_space<vmem>>)
      tpu.yield
    }) : () -> ()
    %mul3A_3 = arith.constant 256 : i32
    %mul3A_4 = arith.muli %add3A, %mul3A_3 : i32
    "tpu.region"() ({
      %run_scoped3A = tpu.sem_alloc : memref<!tpu.dma_semaphore, #tpu.memory_space<semaphore_mem>>
      %dma_start3A_35 = arith.constant 0 : i32
      %dma_start3A_36 = tpu.memref_slice %arg2[%mul3A_4, %dma_start3A_35] : memref<8192x384xi32, #tpu.memory_space<hbm>> -> memref<128x384xi32, #tpu.memory_space<hbm>>
      %dma_start3A_37 = arith.constant 0 : i32
      %dma_start3A_38 = tpu.memref_slice %arg2[%mul3A_4, %dma_start3A_37] : memref<8192x384xi32, #tpu.memory_space<hbm>> -> memref<128x384xi32, #tpu.memory_space<hbm>>
      tpu.enqueue_dma source(%dma_start3A_38 : memref<128x384xi32, #tpu.memory_space<hbm>>) target(%arg6 : memref<128x384xi32, #tpu.memory_space<vmem>>) target_semaphore(%run_scoped3A : memref<!tpu.dma_semaphore, #tpu.memory_space<semaphore_mem>>)
      %dma_wait3A_39 = arith.constant 0 : i32
      %dma_wait3A_40 = tpu.memref_slice %arg2[%mul3A_4, %dma_wait3A_39] : memref<8192x384xi32, #tpu.memory_space<hbm>> -> memref<128x384xi32, #tpu.memory_space<hbm>>
      %dma_wait3A_41 = arith.constant 0 : i32
      %dma_wait3A_42 = tpu.memref_slice %arg2[%mul3A_4, %dma_wait3A_41] : memref<8192x384xi32, #tpu.memory_space<hbm>> -> memref<128x384xi32, #tpu.memory_space<hbm>>
      tpu.wait_dma2 semaphore(%run_scoped3A : memref<!tpu.dma_semaphore, #tpu.memory_space<semaphore_mem>>) src(%dma_wait3A_42 : memref<128x384xi32, #tpu.memory_space<hbm>>) dst(%arg6 : memref<128x384xi32, #tpu.memory_space<vmem>>)
      tpu.yield
    }) : () -> ()
    %dma_start3A = arith.constant 0 : i32
    %dma_start3A_5 = arith.constant 0 : i32
    %dma_start3A_6 = tpu.memref_slice %arg5[%dma_start3A, %dma_start3A_5] : memref<2x128xi32, #tpu.memory_space<vmem>> -> memref<1x128xi32, #tpu.memory_space<vmem>>
    %dma_start3A_7 = tpu.memref_squeeze %dma_start3A_6 : memref<1x128xi32, #tpu.memory_space<vmem>> -> memref<128xi32, #tpu.memory_space<vmem>>
    %dma_start3A_8 = arith.constant 0 : i32
    %dma_start3A_9 = arith.constant 0 : i32
    %dma_start3A_10 = tpu.memref_slice %arg4[%dma_start3A_8, %dma_start3A_9] : memref<10248x384xi32, #tpu.memory_space<hbm>> -> memref<10248x384xi32, #tpu.memory_space<hbm>>
    tpu.enqueue_indirect_dma source(%arg6 : memref<128x384xi32, #tpu.memory_space<vmem>>) target(%dma_start3A_10 : memref<10248x384xi32, #tpu.memory_space<hbm>>) offsets(%dma_start3A_7 : memref<128xi32, #tpu.memory_space<vmem>>) semaphore(%arg8 : memref<!tpu.dma_semaphore, #tpu.memory_space<semaphore_mem>>)
    %mul3A_11 = arith.constant 256 : i32
    %mul3A_12 = arith.muli %add3A, %mul3A_11 : i32
    %add3A_13 = arith.constant 128 : i32
    %add3A_14 = arith.addi %mul3A_12, %add3A_13 : i32
    "tpu.region"() ({
      %run_scoped3A = tpu.sem_alloc : memref<!tpu.dma_semaphore, #tpu.memory_space<semaphore_mem>>
      %dma_start3A_35 = arith.constant 0 : i32
      %dma_start3A_36 = tpu.memref_slice %arg2[%add3A_14, %dma_start3A_35] : memref<8192x384xi32, #tpu.memory_space<hbm>> -> memref<128x384xi32, #tpu.memory_space<hbm>>
      %dma_start3A_37 = arith.constant 0 : i32
      %dma_start3A_38 = tpu.memref_slice %arg2[%add3A_14, %dma_start3A_37] : memref<8192x384xi32, #tpu.memory_space<hbm>> -> memref<128x384xi32, #tpu.memory_space<hbm>>
      tpu.enqueue_dma source(%dma_start3A_38 : memref<128x384xi32, #tpu.memory_space<hbm>>) target(%arg7 : memref<128x384xi32, #tpu.memory_space<vmem>>) target_semaphore(%run_scoped3A : memref<!tpu.dma_semaphore, #tpu.memory_space<semaphore_mem>>)
      %dma_wait3A_39 = arith.constant 0 : i32
      %dma_wait3A_40 = tpu.memref_slice %arg2[%add3A_14, %dma_wait3A_39] : memref<8192x384xi32, #tpu.memory_space<hbm>> -> memref<128x384xi32, #tpu.memory_space<hbm>>
      %dma_wait3A_41 = arith.constant 0 : i32
      %dma_wait3A_42 = tpu.memref_slice %arg2[%add3A_14, %dma_wait3A_41] : memref<8192x384xi32, #tpu.memory_space<hbm>> -> memref<128x384xi32, #tpu.memory_space<hbm>>
      tpu.wait_dma2 semaphore(%run_scoped3A : memref<!tpu.dma_semaphore, #tpu.memory_space<semaphore_mem>>) src(%dma_wait3A_42 : memref<128x384xi32, #tpu.memory_space<hbm>>) dst(%arg7 : memref<128x384xi32, #tpu.memory_space<vmem>>)
      tpu.yield
    }) : () -> ()
    %dma_start3A_15 = arith.constant 1 : i32
    %dma_start3A_16 = arith.constant 0 : i32
    %dma_start3A_17 = tpu.memref_slice %arg5[%dma_start3A_15, %dma_start3A_16] : memref<2x128xi32, #tpu.memory_space<vmem>> -> memref<1x128xi32, #tpu.memory_space<vmem>>
    %dma_start3A_18 = tpu.memref_squeeze %dma_start3A_17 : memref<1x128xi32, #tpu.memory_space<vmem>> -> memref<128xi32, #tpu.memory_space<vmem>>
    %dma_start3A_19 = arith.constant 0 : i32
    %dma_start3A_20 = arith.constant 0 : i32
    %dma_start3A_21 = tpu.memref_slice %arg4[%dma_start3A_19, %dma_start3A_20] : memref<10248x384xi32, #tpu.memory_space<hbm>> -> memref<10248x384xi32, #tpu.memory_space<hbm>>
    tpu.enqueue_indirect_dma source(%arg7 : memref<128x384xi32, #tpu.memory_space<vmem>>) target(%dma_start3A_21 : memref<10248x384xi32, #tpu.memory_space<hbm>>) offsets(%dma_start3A_18 : memref<128xi32, #tpu.memory_space<vmem>>) semaphore(%arg9 : memref<!tpu.dma_semaphore, #tpu.memory_space<semaphore_mem>>)
    %dma_wait3A = arith.constant 0 : i32
    %dma_wait3A_22 = arith.constant 0 : i32
    %dma_wait3A_23 = tpu.memref_slice %arg5[%dma_wait3A, %dma_wait3A_22] : memref<2x128xi32, #tpu.memory_space<vmem>> -> memref<1x128xi32, #tpu.memory_space<vmem>>
    %dma_wait3A_24 = tpu.memref_squeeze %dma_wait3A_23 : memref<1x128xi32, #tpu.memory_space<vmem>> -> memref<128xi32, #tpu.memory_space<vmem>>
    %dma_wait3A_25 = arith.constant 0 : i32
    %dma_wait3A_26 = arith.constant 0 : i32
    %dma_wait3A_27 = tpu.memref_slice %arg4[%dma_wait3A_25, %dma_wait3A_26] : memref<10248x384xi32, #tpu.memory_space<hbm>> -> memref<10248x384xi32, #tpu.memory_space<hbm>>
    tpu.wait_indirect_dma semaphore(%arg8 : memref<!tpu.dma_semaphore, #tpu.memory_space<semaphore_mem>>) src(%arg6 : memref<128x384xi32, #tpu.memory_space<vmem>>) dst(%dma_wait3A_27 : memref<10248x384xi32, #tpu.memory_space<hbm>>)
    %dma_wait3A_28 = arith.constant 1 : i32
    %dma_wait3A_29 = arith.constant 0 : i32
    %dma_wait3A_30 = tpu.memref_slice %arg5[%dma_wait3A_28, %dma_wait3A_29] : memref<2x128xi32, #tpu.memory_space<vmem>> -> memref<1x128xi32, #tpu.memory_space<vmem>>
    %dma_wait3A_31 = tpu.memref_squeeze %dma_wait3A_30 : memref<1x128xi32, #tpu.memory_space<vmem>> -> memref<128xi32, #tpu.memory_space<vmem>>
    %dma_wait3A_32 = arith.constant 0 : i32
    %dma_wait3A_33 = arith.constant 0 : i32
    %dma_wait3A_34 = tpu.memref_slice %arg4[%dma_wait3A_32, %dma_wait3A_33] : memref<10248x384xi32, #tpu.memory_space<hbm>> -> memref<10248x384xi32, #tpu.memory_space<hbm>>
    tpu.wait_indirect_dma semaphore(%arg9 : memref<!tpu.dma_semaphore, #tpu.memory_space<semaphore_mem>>) src(%arg7 : memref<128x384xi32, #tpu.memory_space<vmem>>) dst(%dma_wait3A_34 : memref<10248x384xi32, #tpu.memory_space<hbm>>)
    return
  }
}

#map = affine_map<(d0, d1) -> (0, 0)>
module attributes {stable_mosaic.version = 14 : i64} {
  func.func @_combine(%arg0: i32, %arg1: i32, %arg2: memref<10240x384xi32, #tpu.memory_space<hbm>>, %arg3: memref<64x128xi32, #tpu.memory_space<hbm>>, %arg4: memref<8192x384xi32, #tpu.memory_space<hbm>>, %arg5: memref<2x128xi32, #tpu.memory_space<vmem>>, %arg6: memref<128x384xi32, #tpu.memory_space<vmem>>, %arg7: memref<128x384xi32, #tpu.memory_space<vmem>>, %arg8: memref<!tpu.dma_semaphore, #tpu.memory_space<semaphore_mem>>, %arg9: memref<!tpu.dma_semaphore, #tpu.memory_space<semaphore_mem>>) attributes {dimension_semantics = [#tpu.dimension_semantics<core_parallel>, #tpu.dimension_semantics<subcore_parallel>], iteration_bounds = array<i64: 2, 16>, scalar_prefetch = 0 : i64, scratch_operands = 5 : i64, tpu.core_type = #tpu.core_type<sc_vector_subcore>, window_params = [{transform_indices = #map}, {transform_indices = #map}, {transform_indices = #map}]} {
    %mul3A = arith.constant 2 : i32
    %mul3A_0 = arith.muli %arg1, %mul3A : i32
    %add3A = arith.addi %mul3A_0, %arg0 : i32
    %mul3A_1 = arith.constant 2 : i32
    %mul3A_2 = arith.muli %add3A, %mul3A_1 : i32
    "tpu.region"() ({
      %run_scoped3A = tpu.sem_alloc : memref<!tpu.dma_semaphore, #tpu.memory_space<semaphore_mem>>
      %dma_start3A_35 = arith.constant 0 : i32
      %dma_start3A_36 = tpu.memref_slice %arg3[%mul3A_2, %dma_start3A_35] : memref<64x128xi32, #tpu.memory_space<hbm>> -> memref<2x128xi32, #tpu.memory_space<hbm>>
      %dma_start3A_37 = arith.constant 0 : i32
      %dma_start3A_38 = tpu.memref_slice %arg3[%mul3A_2, %dma_start3A_37] : memref<64x128xi32, #tpu.memory_space<hbm>> -> memref<2x128xi32, #tpu.memory_space<hbm>>
      tpu.enqueue_dma source(%dma_start3A_38 : memref<2x128xi32, #tpu.memory_space<hbm>>) target(%arg5 : memref<2x128xi32, #tpu.memory_space<vmem>>) target_semaphore(%run_scoped3A : memref<!tpu.dma_semaphore, #tpu.memory_space<semaphore_mem>>)
      %dma_wait3A_39 = arith.constant 0 : i32
      %dma_wait3A_40 = tpu.memref_slice %arg3[%mul3A_2, %dma_wait3A_39] : memref<64x128xi32, #tpu.memory_space<hbm>> -> memref<2x128xi32, #tpu.memory_space<hbm>>
      %dma_wait3A_41 = arith.constant 0 : i32
      %dma_wait3A_42 = tpu.memref_slice %arg3[%mul3A_2, %dma_wait3A_41] : memref<64x128xi32, #tpu.memory_space<hbm>> -> memref<2x128xi32, #tpu.memory_space<hbm>>
      tpu.wait_dma2 semaphore(%run_scoped3A : memref<!tpu.dma_semaphore, #tpu.memory_space<semaphore_mem>>) src(%dma_wait3A_42 : memref<2x128xi32, #tpu.memory_space<hbm>>) dst(%arg5 : memref<2x128xi32, #tpu.memory_space<vmem>>)
      tpu.yield
    }) : () -> ()
    %dma_start3A = arith.constant 0 : i32
    %dma_start3A_3 = arith.constant 0 : i32
    %dma_start3A_4 = tpu.memref_slice %arg5[%dma_start3A, %dma_start3A_3] : memref<2x128xi32, #tpu.memory_space<vmem>> -> memref<1x128xi32, #tpu.memory_space<vmem>>
    %dma_start3A_5 = tpu.memref_squeeze %dma_start3A_4 : memref<1x128xi32, #tpu.memory_space<vmem>> -> memref<128xi32, #tpu.memory_space<vmem>>
    %dma_start3A_6 = arith.constant 0 : i32
    %dma_start3A_7 = arith.constant 0 : i32
    %dma_start3A_8 = tpu.memref_slice %arg2[%dma_start3A_6, %dma_start3A_7] : memref<10240x384xi32, #tpu.memory_space<hbm>> -> memref<10240x384xi32, #tpu.memory_space<hbm>>
    tpu.enqueue_indirect_dma source(%dma_start3A_8 : memref<10240x384xi32, #tpu.memory_space<hbm>>) target(%arg6 : memref<128x384xi32, #tpu.memory_space<vmem>>) offsets(%dma_start3A_5 : memref<128xi32, #tpu.memory_space<vmem>>) semaphore(%arg8 : memref<!tpu.dma_semaphore, #tpu.memory_space<semaphore_mem>>)
    %dma_start3A_9 = arith.constant 1 : i32
    %dma_start3A_10 = arith.constant 0 : i32
    %dma_start3A_11 = tpu.memref_slice %arg5[%dma_start3A_9, %dma_start3A_10] : memref<2x128xi32, #tpu.memory_space<vmem>> -> memref<1x128xi32, #tpu.memory_space<vmem>>
    %dma_start3A_12 = tpu.memref_squeeze %dma_start3A_11 : memref<1x128xi32, #tpu.memory_space<vmem>> -> memref<128xi32, #tpu.memory_space<vmem>>
    %dma_start3A_13 = arith.constant 0 : i32
    %dma_start3A_14 = arith.constant 0 : i32
    %dma_start3A_15 = tpu.memref_slice %arg2[%dma_start3A_13, %dma_start3A_14] : memref<10240x384xi32, #tpu.memory_space<hbm>> -> memref<10240x384xi32, #tpu.memory_space<hbm>>
    tpu.enqueue_indirect_dma source(%dma_start3A_15 : memref<10240x384xi32, #tpu.memory_space<hbm>>) target(%arg7 : memref<128x384xi32, #tpu.memory_space<vmem>>) offsets(%dma_start3A_12 : memref<128xi32, #tpu.memory_space<vmem>>) semaphore(%arg9 : memref<!tpu.dma_semaphore, #tpu.memory_space<semaphore_mem>>)
    %dma_wait3A = arith.constant 0 : i32
    %dma_wait3A_16 = arith.constant 0 : i32
    %dma_wait3A_17 = tpu.memref_slice %arg5[%dma_wait3A, %dma_wait3A_16] : memref<2x128xi32, #tpu.memory_space<vmem>> -> memref<1x128xi32, #tpu.memory_space<vmem>>
    %dma_wait3A_18 = tpu.memref_squeeze %dma_wait3A_17 : memref<1x128xi32, #tpu.memory_space<vmem>> -> memref<128xi32, #tpu.memory_space<vmem>>
    %dma_wait3A_19 = arith.constant 0 : i32
    %dma_wait3A_20 = arith.constant 0 : i32
    %dma_wait3A_21 = tpu.memref_slice %arg2[%dma_wait3A_19, %dma_wait3A_20] : memref<10240x384xi32, #tpu.memory_space<hbm>> -> memref<10240x384xi32, #tpu.memory_space<hbm>>
    tpu.wait_indirect_dma semaphore(%arg8 : memref<!tpu.dma_semaphore, #tpu.memory_space<semaphore_mem>>) src(%dma_wait3A_21 : memref<10240x384xi32, #tpu.memory_space<hbm>>) dst(%arg6 : memref<128x384xi32, #tpu.memory_space<vmem>>)
    %mul3A_22 = arith.constant 256 : i32
    %mul3A_23 = arith.muli %add3A, %mul3A_22 : i32
    "tpu.region"() ({
      %run_scoped3A = tpu.sem_alloc : memref<!tpu.dma_semaphore, #tpu.memory_space<semaphore_mem>>
      %dma_start3A_35 = arith.constant 0 : i32
      %dma_start3A_36 = tpu.memref_slice %arg4[%mul3A_23, %dma_start3A_35] : memref<8192x384xi32, #tpu.memory_space<hbm>> -> memref<128x384xi32, #tpu.memory_space<hbm>>
      %dma_start3A_37 = arith.constant 0 : i32
      %dma_start3A_38 = tpu.memref_slice %arg4[%mul3A_23, %dma_start3A_37] : memref<8192x384xi32, #tpu.memory_space<hbm>> -> memref<128x384xi32, #tpu.memory_space<hbm>>
      tpu.enqueue_dma source(%arg6 : memref<128x384xi32, #tpu.memory_space<vmem>>) target(%dma_start3A_38 : memref<128x384xi32, #tpu.memory_space<hbm>>) target_semaphore(%run_scoped3A : memref<!tpu.dma_semaphore, #tpu.memory_space<semaphore_mem>>)
      %dma_wait3A_39 = arith.constant 0 : i32
      %dma_wait3A_40 = tpu.memref_slice %arg4[%mul3A_23, %dma_wait3A_39] : memref<8192x384xi32, #tpu.memory_space<hbm>> -> memref<128x384xi32, #tpu.memory_space<hbm>>
      %dma_wait3A_41 = arith.constant 0 : i32
      %dma_wait3A_42 = tpu.memref_slice %arg4[%mul3A_23, %dma_wait3A_41] : memref<8192x384xi32, #tpu.memory_space<hbm>> -> memref<128x384xi32, #tpu.memory_space<hbm>>
      tpu.wait_dma2 semaphore(%run_scoped3A : memref<!tpu.dma_semaphore, #tpu.memory_space<semaphore_mem>>) src(%arg6 : memref<128x384xi32, #tpu.memory_space<vmem>>) dst(%dma_wait3A_42 : memref<128x384xi32, #tpu.memory_space<hbm>>)
      tpu.yield
    }) : () -> ()
    %dma_wait3A_24 = arith.constant 1 : i32
    %dma_wait3A_25 = arith.constant 0 : i32
    %dma_wait3A_26 = tpu.memref_slice %arg5[%dma_wait3A_24, %dma_wait3A_25] : memref<2x128xi32, #tpu.memory_space<vmem>> -> memref<1x128xi32, #tpu.memory_space<vmem>>
    %dma_wait3A_27 = tpu.memref_squeeze %dma_wait3A_26 : memref<1x128xi32, #tpu.memory_space<vmem>> -> memref<128xi32, #tpu.memory_space<vmem>>
    %dma_wait3A_28 = arith.constant 0 : i32
    %dma_wait3A_29 = arith.constant 0 : i32
    %dma_wait3A_30 = tpu.memref_slice %arg2[%dma_wait3A_28, %dma_wait3A_29] : memref<10240x384xi32, #tpu.memory_space<hbm>> -> memref<10240x384xi32, #tpu.memory_space<hbm>>
    tpu.wait_indirect_dma semaphore(%arg9 : memref<!tpu.dma_semaphore, #tpu.memory_space<semaphore_mem>>) src(%dma_wait3A_30 : memref<10240x384xi32, #tpu.memory_space<hbm>>) dst(%arg7 : memref<128x384xi32, #tpu.memory_space<vmem>>)
    %mul3A_31 = arith.constant 256 : i32
    %mul3A_32 = arith.muli %add3A, %mul3A_31 : i32
    %add3A_33 = arith.constant 128 : i32
    %add3A_34 = arith.addi %mul3A_32, %add3A_33 : i32
    "tpu.region"() ({
      %run_scoped3A = tpu.sem_alloc : memref<!tpu.dma_semaphore, #tpu.memory_space<semaphore_mem>>
      %dma_start3A_35 = arith.constant 0 : i32
      %dma_start3A_36 = tpu.memref_slice %arg4[%add3A_34, %dma_start3A_35] : memref<8192x384xi32, #tpu.memory_space<hbm>> -> memref<128x384xi32, #tpu.memory_space<hbm>>
      %dma_start3A_37 = arith.constant 0 : i32
      %dma_start3A_38 = tpu.memref_slice %arg4[%add3A_34, %dma_start3A_37] : memref<8192x384xi32, #tpu.memory_space<hbm>> -> memref<128x384xi32, #tpu.memory_space<hbm>>
      tpu.enqueue_dma source(%arg7 : memref<128x384xi32, #tpu.memory_space<vmem>>) target(%dma_start3A_38 : memref<128x384xi32, #tpu.memory_space<hbm>>) target_semaphore(%run_scoped3A : memref<!tpu.dma_semaphore, #tpu.memory_space<semaphore_mem>>)
      %dma_wait3A_39 = arith.constant 0 : i32
      %dma_wait3A_40 = tpu.memref_slice %arg4[%add3A_34, %dma_wait3A_39] : memref<8192x384xi32, #tpu.memory_space<hbm>> -> memref<128x384xi32, #tpu.memory_space<hbm>>
      %dma_wait3A_41 = arith.constant 0 : i32
      %dma_wait3A_42 = tpu.memref_slice %arg4[%add3A_34, %dma_wait3A_41] : memref<8192x384xi32, #tpu.memory_space<hbm>> -> memref<128x384xi32, #tpu.memory_space<hbm>>
      tpu.wait_dma2 semaphore(%run_scoped3A : memref<!tpu.dma_semaphore, #tpu.memory_space<semaphore_mem>>) src(%arg7 : memref<128x384xi32, #tpu.memory_space<vmem>>) dst(%dma_wait3A_42 : memref<128x384xi32, #tpu.memory_space<hbm>>)
      tpu.yield
    }) : () -> ()
    return
  }
}

module attributes {stable_mosaic.version = 14 : i64} {
  func.func @_finish_body(%arg0: i32, %arg1: memref<2048x384xi32, #tpu.memory_space<vmem>>, %arg2: memref<1x1x2048xf32, #tpu.memory_space<vmem>>, %arg3: memref<2048x768xf32, #tpu.memory_space<vmem>>) attributes {dimension_semantics = [#tpu.dimension_semantics<arbitrary>], iteration_bounds = array<i64: 4>, scalar_prefetch = 0 : i64, scratch_operands = 0 : i64, tpu.core_type = #tpu.core_type<tc>, window_params = [{transform_indices = @transform_0, window_bounds = array<i64: 2048, 384>}, {transform_indices = @transform_1, window_bounds = array<i64: 1, 1, 2048>}, {transform_indices = @transform_2, window_bounds = array<i64: 2048, 768>}]} {
    %get3A = arith.constant 0 : index
    %get3A_0 = arith.constant 0 : index
    %get3A_1 = vector.load %arg1[%get3A, %get3A_0] : memref<2048x384xi32, #tpu.memory_space<vmem>>, vector<2048x384xi32>
    %get3A_2 = arith.constant 0 : index
    %get3A_3 = arith.constant 0 : index
    %get3A_4 = arith.constant 0 : index
    %get3A_5 = vector.load %arg2[%get3A_2, %get3A_3, %get3A_4] : memref<1x1x2048xf32, #tpu.memory_space<vmem>>, vector<1x1x2048xf32>
    %reshape3A = vector.shape_cast %get3A_5 : vector<1x1x2048xf32> to vector<2048x1xf32>
    %shift_left3A = arith.constant 16 : i32
    %shift_left3A_6 = vector.broadcast %shift_left3A : i32 to vector<2048x384xi32>
    %shift_left3A_7 = arith.shli %get3A_1, %shift_left3A_6 : vector<2048x384xi32>
    %bitcast_convert_type3A = tpu.bitcast %shift_left3A_7 : vector<2048x384xi32> -> vector<2048x384xf32>
    %mul3A = vector.broadcast %reshape3A : vector<2048x1xf32> to vector<2048x384xf32>
    %mul3A_8 = arith.mulf %bitcast_convert_type3A, %mul3A : vector<2048x384xf32>
    %swap3A = arith.constant 0 : index
    %swap3A_9 = arith.constant 0 : index
    %swap3A_10 = vector.load %arg3[%swap3A, %swap3A_9] : memref<2048x768xf32, #tpu.memory_space<vmem>>, vector<2048x384xf32>
    tpu.vector_store %arg3[%swap3A, %swap3A_9], %mul3A_8 {strides = array<i32>} : memref<2048x768xf32, #tpu.memory_space<vmem>>, vector<2048x384xf32>,
    %and3A = arith.constant -65536 : i32
    %and3A_11 = vector.broadcast %and3A : i32 to vector<2048x384xi32>
    %and3A_12 = arith.andi %get3A_1, %and3A_11 : vector<2048x384xi32>
    %bitcast_convert_type3A_13 = tpu.bitcast %and3A_12 : vector<2048x384xi32> -> vector<2048x384xf32>
    %mul3A_14 = vector.broadcast %reshape3A : vector<2048x1xf32> to vector<2048x384xf32>
    %mul3A_15 = arith.mulf %bitcast_convert_type3A_13, %mul3A_14 : vector<2048x384xf32>
    %swap3A_16 = arith.constant 0 : index
    %swap3A_17 = arith.constant 384 : index
    %swap3A_18 = vector.load %arg3[%swap3A_16, %swap3A_17] : memref<2048x768xf32, #tpu.memory_space<vmem>>, vector<2048x384xf32>
    tpu.vector_store %arg3[%swap3A_16, %swap3A_17], %mul3A_15 {strides = array<i32>} : memref<2048x768xf32, #tpu.memory_space<vmem>>, vector<2048x384xf32>,
    return
  }
  func.func @transform_0(%arg0: i32) -> (i32, i32) {
    %c0_i32 = arith.constant 0 : i32
    %c0_i32_0 = arith.constant 0 : i32
    return %arg0, %c0_i32 : i32, i32
  }
  func.func @transform_1(%arg0: i32) -> (i32, i32, i32) {
    %c0_i32 = arith.constant 0 : i32
    %c0_i32_0 = arith.constant 0 : i32
    %c0_i32_1 = arith.constant 0 : i32
    return %arg0, %c0_i32, %c0_i32_0 : i32, i32, i32
  }
  func.func @transform_2(%arg0: i32) -> (i32, i32) {
    %c0_i32 = arith.constant 0 : i32
    %c0_i32_0 = arith.constant 0 : i32
    return %arg0, %c0_i32 : i32, i32
  }
}

module attributes {stable_mosaic.version = 14 : i64} {
  func.func @_router_body(%arg0: i32, %arg1: memref<2048x768xf32, #tpu.memory_space<vmem>>, %arg2: memref<768x64xf32, #tpu.memory_space<vmem>>, %arg3: memref<1x1x2048xi32, #tpu.memory_space<vmem>>, %arg4: memref<1x1x2048xi32, #tpu.memory_space<vmem>>, %arg5: memref<1x1x2048xf32, #tpu.memory_space<vmem>>, %arg6: memref<2048x384xi32, #tpu.memory_space<vmem>>, %arg7: memref<1x64xf32, #tpu.memory_space<vmem>>) attributes {dimension_semantics = [#tpu.dimension_semantics<arbitrary>], iteration_bounds = array<i64: 4>, scalar_prefetch = 0 : i64, scratch_operands = 1 : i64, tpu.core_type = #tpu.core_type<tc>, window_params = [{transform_indices = @transform_0, window_bounds = array<i64: 2048, 768>}, {pipeline_mode = #tpu.pipeline_mode<synchronous>, transform_indices = @transform_1, window_bounds = array<i64: 768, 64>}, {transform_indices = @transform_2, window_bounds = array<i64: 1, 1, 2048>}, {transform_indices = @transform_3, window_bounds = array<i64: 1, 1, 2048>}, {transform_indices = @transform_4, window_bounds = array<i64: 1, 1, 2048>}, {transform_indices = @transform_5, window_bounds = array<i64: 2048, 384>}]} {
    %eq3A = arith.constant 0 : i32
    %eq3A_0 = arith.cmpi eq, %arg0, %eq3A : i32
    %convert_element_type3A = arith.extui %eq3A_0 : i1 to i32
    %cond3A = arith.constant 0 : i32
    %cond3A_1 = arith.cmpi ne, %convert_element_type3A, %cond3A : i32
    scf.if %cond3A_1 {
      %broadcast_in_dim3A_95 = arith.constant 0.000000e+00 : f32
      %broadcast_in_dim3A_96 = vector.broadcast %broadcast_in_dim3A_95 : f32 to vector<1x64xf32>
      %swap3A_97 = arith.constant 0 : index
      %swap3A_98 = arith.constant 0 : index
      %swap3A_99 = vector.load %arg7[%swap3A_97, %swap3A_98] : memref<1x64xf32, #tpu.memory_space<vmem>>, vector<1x64xf32>
      tpu.vector_store %arg7[%swap3A_97, %swap3A_98], %broadcast_in_dim3A_96 {strides = array<i32>} : memref<1x64xf32, #tpu.memory_space<vmem>>, vector<1x64xf32>,
    } else {
    }
    %get3A = arith.constant 0 : index
    %get3A_2 = arith.constant 0 : index
    %get3A_3 = vector.load %arg1[%get3A, %get3A_2] : memref<2048x768xf32, #tpu.memory_space<vmem>>, vector<2048x768xf32>
    %slice3A = vector.extract_strided_slice %get3A_3 {offsets = [0, 0], sizes = [2048, 384], strides = [1, 1]} : vector<2048x768xf32> to vector<2048x384xf32>
    %slice3A_4 = vector.extract_strided_slice %get3A_3 {offsets = [0, 384], sizes = [2048, 384], strides = [1, 1]} : vector<2048x768xf32> to vector<2048x384xf32>
    %bitcast_convert_type3A = tpu.bitcast %slice3A : vector<2048x384xf32> -> vector<2048x384xi32>
    %bitcast_convert_type3A_5 = tpu.bitcast %slice3A_4 : vector<2048x384xf32> -> vector<2048x384xi32>
    %add3A = arith.constant 32768 : i32
    %add3A_6 = vector.broadcast %add3A : i32 to vector<2048x384xi32>
    %add3A_7 = arith.addi %bitcast_convert_type3A, %add3A_6 : vector<2048x384xi32>
    %shift_right_logical3A = arith.constant 16 : i32
    %shift_right_logical3A_8 = vector.broadcast %shift_right_logical3A : i32 to vector<2048x384xi32>
    %shift_right_logical3A_9 = arith.shrui %add3A_7, %shift_right_logical3A_8 : vector<2048x384xi32>
    %add3A_10 = arith.constant 32768 : i32
    %add3A_11 = vector.broadcast %add3A_10 : i32 to vector<2048x384xi32>
    %add3A_12 = arith.addi %bitcast_convert_type3A_5, %add3A_11 : vector<2048x384xi32>
    %and3A = arith.constant -65536 : i32
    %and3A_13 = vector.broadcast %and3A : i32 to vector<2048x384xi32>
    %and3A_14 = arith.andi %add3A_12, %and3A_13 : vector<2048x384xi32>
    %or3A = arith.ori %shift_right_logical3A_9, %and3A_14 : vector<2048x384xi32>
    %swap3A = arith.constant 0 : index
    %swap3A_15 = arith.constant 0 : index
    %swap3A_16 = vector.load %arg6[%swap3A, %swap3A_15] : memref<2048x384xi32, #tpu.memory_space<vmem>>, vector<2048x384xi32>
    tpu.vector_store %arg6[%swap3A, %swap3A_15], %or3A {strides = array<i32>} : memref<2048x384xi32, #tpu.memory_space<vmem>>, vector<2048x384xi32>,
    %get3A_17 = arith.constant 0 : index
    %get3A_18 = arith.constant 0 : index
    %get3A_19 = vector.load %arg2[%get3A_17, %get3A_18] : memref<768x64xf32, #tpu.memory_space<vmem>>, vector<768x64xf32>
    %dot_general3A = arith.constant dense<0.000000e+00> : vector<64x2048xf32>
    %dot_general3A_20 = tpu.matmul %get3A_19, %get3A_3, %dot_general3A {dimension_numbers = #tpu.dot_dimension_numbers<[0], [1], [1], [0], [0, 1, 1, 0], [], []>, transpose_lhs_hint = false} : vector<768x64xf32>, vector<2048x768xf32>, vector<64x2048xf32> -> vector<64x2048xf32>
    %reduce_max3A = arith.constant dense<0xFF800000> : vector<2048xf32>
    %reduce_max3A_21 = vector.multi_reduction <maximumf>, %dot_general3A_20, %reduce_max3A [0] : vector<64x2048xf32> to vector<2048xf32>
    %broadcast_in_dim3A = vector.shape_cast %reduce_max3A_21 : vector<2048xf32> to vector<1x2048xf32>
    %sub3A = vector.broadcast %broadcast_in_dim3A : vector<1x2048xf32> to vector<64x2048xf32>
    %sub3A_22 = arith.subf %dot_general3A_20, %sub3A : vector<64x2048xf32>
    %exp3A = math.exp %sub3A_22 : vector<64x2048xf32>
    %reduce_sum3A = arith.constant dense<0.000000e+00> : vector<2048xf32>
    %reduce_sum3A_23 = vector.multi_reduction <add>, %exp3A, %reduce_sum3A [0] : vector<64x2048xf32> to vector<2048xf32>
    %broadcast_in_dim3A_24 = vector.shape_cast %reduce_sum3A_23 : vector<2048xf32> to vector<1x2048xf32>
    %div3A = arith.constant 1.000000e+00 : f32
    %div3A_25 = vector.broadcast %div3A : f32 to vector<1x2048xf32>
    %div3A_26 = arith.divf %div3A_25, %broadcast_in_dim3A_24 : vector<1x2048xf32>
    %iota3A = tpu.iota {dimensions = array<i32: 0>} : vector<64x2048xi32>
    %eq3A_27 = vector.broadcast %broadcast_in_dim3A : vector<1x2048xf32> to vector<64x2048xf32>
    %eq3A_28 = arith.cmpf oeq, %dot_general3A_20, %eq3A_27 : vector<64x2048xf32>
    %jit3A = arith.constant 64 : i32
    %broadcast_in_dim3A_29 = vector.broadcast %jit3A : i32 to vector<64x2048xi32>
    %select_n3A = arith.select %eq3A_28, %iota3A, %broadcast_in_dim3A_29 : vector<64x2048xi1>, vector<64x2048xi32>
    %reduce_min3A = arith.constant dense<2147483647> : vector<2048xi32>
    %reduce_min3A_30 = vector.multi_reduction <minsi>, %select_n3A, %reduce_min3A [0] : vector<64x2048xi32> to vector<2048xi32>
    %broadcast_in_dim3A_31 = vector.shape_cast %reduce_min3A_30 : vector<2048xi32> to vector<1x2048xi32>
    %eq3A_32 = vector.broadcast %broadcast_in_dim3A_31 : vector<1x2048xi32> to vector<64x2048xi32>
    %eq3A_33 = arith.cmpi eq, %iota3A, %eq3A_32 : vector<64x2048xi32>
    %convert_element_type3A_34 = arith.extui %eq3A_33 : vector<64x2048xi1> to vector<64x2048xi32>
    %convert_element_type3A_35 = arith.sitofp %convert_element_type3A_34 : vector<64x2048xi32> to vector<64x2048xf32>
    %convert_element_type3A_36 = arith.truncf %convert_element_type3A_35 : vector<64x2048xf32> to vector<64x2048xbf16>
    %iota3A_37 = tpu.iota {dimensions = array<i32: 0>} : vector<2048x2048xi32>
    %iota3A_38 = tpu.iota {dimensions = array<i32: 1>} : vector<2048x2048xi32>
    %le3A = arith.cmpi sle, %iota3A_37, %iota3A_38 : vector<2048x2048xi32>
    %convert_element_type3A_39 = arith.extui %le3A : vector<2048x2048xi1> to vector<2048x2048xi32>
    %convert_element_type3A_40 = arith.sitofp %convert_element_type3A_39 : vector<2048x2048xi32> to vector<2048x2048xf32>
    %convert_element_type3A_41 = arith.truncf %convert_element_type3A_40 : vector<2048x2048xf32> to vector<2048x2048xbf16>
    %dot_general3A_42 = arith.constant dense<0.000000e+00> : vector<64x2048xf32>
    %dot_general3A_43 = tpu.matmul %convert_element_type3A_36, %convert_element_type3A_41, %dot_general3A_42 {dimension_numbers = #tpu.dot_dimension_numbers<[1], [0], [0], [1], [0, 0, 1, 1], [], []>, transpose_lhs_hint = false} : vector<64x2048xbf16>, vector<2048x2048xbf16>, vector<64x2048xf32> -> vector<64x2048xf32>
    %convert_element_type3A_44 = arith.extf %convert_element_type3A_36 : vector<64x2048xbf16> to vector<64x2048xf32>
    %mul3A = arith.mulf %dot_general3A_43, %convert_element_type3A_44 : vector<64x2048xf32>
    %reduce_sum3A_45 = arith.constant dense<0.000000e+00> : vector<2048xf32>
    %reduce_sum3A_46 = vector.multi_reduction <add>, %mul3A, %reduce_sum3A_45 [0] : vector<64x2048xf32> to vector<2048xf32>
    %broadcast_in_dim3A_47 = vector.shape_cast %reduce_sum3A_46 : vector<2048xf32> to vector<1x2048xf32>
    %get3A_48 = arith.constant 0 : index
    %get3A_49 = arith.constant 0 : index
    %get3A_50 = vector.load %arg7[%get3A_48, %get3A_49] : memref<1x64xf32, #tpu.memory_space<vmem>>, vector<1x64xf32>
    %dot_general3A_51 = arith.constant dense<0.000000e+00> : vector<1x2048xf32>
    %dot_general3A_52 = tpu.matmul %get3A_50, %convert_element_type3A_44, %dot_general3A_51 {dimension_numbers = #tpu.dot_dimension_numbers<[1], [0], [0], [1], [0, 0, 1, 1], [], []>, transpose_lhs_hint = false} : vector<1x64xf32>, vector<64x2048xf32>, vector<1x2048xf32> -> vector<1x2048xf32>
    %get3A_53 = arith.constant 0 : index
    %get3A_54 = arith.constant 0 : index
    %get3A_55 = vector.load %arg7[%get3A_53, %get3A_54] : memref<1x64xf32, #tpu.memory_space<vmem>>, vector<1x64xf32>
    %slice3A_56 = vector.extract_strided_slice %dot_general3A_43 {offsets = [0, 2047], sizes = [64, 1], strides = [1, 1]} : vector<64x2048xf32> to vector<64x1xf32>
    %reshape3A = vector.shape_cast %slice3A_56 : vector<64x1xf32> to vector<1x64xf32>
    %add3A_57 = arith.addf %get3A_55, %reshape3A : vector<1x64xf32>
    %swap3A_58 = arith.constant 0 : index
    %swap3A_59 = arith.constant 0 : index
    %swap3A_60 = vector.load %arg7[%swap3A_58, %swap3A_59] : memref<1x64xf32, #tpu.memory_space<vmem>>, vector<1x64xf32>
    tpu.vector_store %arg7[%swap3A_58, %swap3A_59], %add3A_57 {strides = array<i32>} : memref<1x64xf32, #tpu.memory_space<vmem>>, vector<1x64xf32>,
    %add3A_61 = arith.addf %dot_general3A_52, %broadcast_in_dim3A_47 : vector<1x2048xf32>
    %sub3A_62 = arith.constant 1.000000e+00 : f32
    %sub3A_63 = vector.broadcast %sub3A_62 : f32 to vector<1x2048xf32>
    %sub3A_64 = arith.subf %add3A_61, %sub3A_63 : vector<1x2048xf32>
    %lt3A = arith.constant 1.600000e+02 : f32
    %lt3A_65 = vector.broadcast %lt3A : f32 to vector<1x2048xf32>
    %lt3A_66 = arith.cmpf olt, %sub3A_64, %lt3A_65 : vector<1x2048xf32>
    %min3A = arith.constant 1.590000e+02 : f32
    %min3A_67 = vector.broadcast %min3A : f32 to vector<1x2048xf32>
    %min3A_68 = arith.minimumf %sub3A_64, %min3A_67 : vector<1x2048xf32>
    %convert_element_type3A_69 = arith.fptosi %min3A_68 : vector<1x2048xf32> to vector<1x2048xi32>
    %mul3A_70 = arith.constant 160 : i32
    %mul3A_71 = vector.broadcast %mul3A_70 : i32 to vector<1x2048xi32>
    %mul3A_72 = arith.muli %broadcast_in_dim3A_31, %mul3A_71 : vector<1x2048xi32>
    %add3A_73 = arith.addi %mul3A_72, %convert_element_type3A_69 : vector<1x2048xi32>
    %jit3A_74 = arith.constant 10240 : i32
    %broadcast_in_dim3A_75 = vector.broadcast %jit3A_74 : i32 to vector<1x2048xi32>
    %select_n3A_76 = arith.select %lt3A_66, %add3A_73, %broadcast_in_dim3A_75 : vector<1x2048xi1>, vector<1x2048xi32>
    %reshape3A_77 = vector.shape_cast %select_n3A_76 : vector<1x2048xi32> to vector<1x1x2048xi32>
    %swap3A_78 = arith.constant 0 : index
    %swap3A_79 = arith.constant 0 : index
    %swap3A_80 = arith.constant 0 : index
    %swap3A_81 = vector.load %arg3[%swap3A_78, %swap3A_79, %swap3A_80] : memref<1x1x2048xi32, #tpu.memory_space<vmem>>, vector<1x1x2048xi32>
    tpu.vector_store %arg3[%swap3A_78, %swap3A_79, %swap3A_80], %reshape3A_77 {strides = array<i32>} : memref<1x1x2048xi32, #tpu.memory_space<vmem>>, vector<1x1x2048xi32>,
    %reshape3A_82 = vector.shape_cast %add3A_73 : vector<1x2048xi32> to vector<1x1x2048xi32>
    %swap3A_83 = arith.constant 0 : index
    %swap3A_84 = arith.constant 0 : index
    %swap3A_85 = arith.constant 0 : index
    %swap3A_86 = vector.load %arg4[%swap3A_83, %swap3A_84, %swap3A_85] : memref<1x1x2048xi32, #tpu.memory_space<vmem>>, vector<1x1x2048xi32>
    tpu.vector_store %arg4[%swap3A_83, %swap3A_84, %swap3A_85], %reshape3A_82 {strides = array<i32>} : memref<1x1x2048xi32, #tpu.memory_space<vmem>>, vector<1x1x2048xi32>,
    %jit3A_87 = arith.constant 0.000000e+00 : f32
    %broadcast_in_dim3A_88 = vector.broadcast %jit3A_87 : f32 to vector<1x2048xf32>
    %select_n3A_89 = arith.select %lt3A_66, %div3A_26, %broadcast_in_dim3A_88 : vector<1x2048xi1>, vector<1x2048xf32>
    %reshape3A_90 = vector.shape_cast %select_n3A_89 : vector<1x2048xf32> to vector<1x1x2048xf32>
    %swap3A_91 = arith.constant 0 : index
    %swap3A_92 = arith.constant 0 : index
    %swap3A_93 = arith.constant 0 : index
    %swap3A_94 = vector.load %arg5[%swap3A_91, %swap3A_92, %swap3A_93] : memref<1x1x2048xf32, #tpu.memory_space<vmem>>, vector<1x1x2048xf32>
    tpu.vector_store %arg5[%swap3A_91, %swap3A_92, %swap3A_93], %reshape3A_90 {strides = array<i32>} : memref<1x1x2048xf32, #tpu.memory_space<vmem>>, vector<1x1x2048xf32>,
    return
  }
  func.func @transform_0(%arg0: i32) -> (i32, i32) {
    %c0_i32 = arith.constant 0 : i32
    %c0_i32_0 = arith.constant 0 : i32
    return %arg0, %c0_i32 : i32, i32
  }
  func.func @transform_1(%arg0: i32) -> (i32, i32) {
    %c0_i32 = arith.constant 0 : i32
    %c0_i32_0 = arith.constant 0 : i32
    %c0_i32_1 = arith.constant 0 : i32
    return %c0_i32, %c0_i32_0 : i32, i32
  }
  func.func @transform_2(%arg0: i32) -> (i32, i32, i32) {
    %c0_i32 = arith.constant 0 : i32
    %c0_i32_0 = arith.constant 0 : i32
    %c0_i32_1 = arith.constant 0 : i32
    return %arg0, %c0_i32, %c0_i32_0 : i32, i32, i32
  }
  func.func @transform_3(%arg0: i32) -> (i32, i32, i32) {
    %c0_i32 = arith.constant 0 : i32
    %c0_i32_0 = arith.constant 0 : i32
    %c0_i32_1 = arith.constant 0 : i32
    return %arg0, %c0_i32, %c0_i32_0 : i32, i32, i32
  }
  func.func @transform_4(%arg0: i32) -> (i32, i32, i32) {
    %c0_i32 = arith.constant 0 : i32
    %c0_i32_0 = arith.constant 0 : i32
    %c0_i32_1 = arith.constant 0 : i32
    return %arg0, %c0_i32, %c0_i32_0 : i32, i32, i32
  }
  func.func @transform_5(%arg0: i32) -> (i32, i32) {
    %c0_i32 = arith.constant 0 : i32
    %c0_i32_0 = arith.constant 0 : i32
    return %arg0, %c0_i32 : i32, i32
  }
}

module attributes {stable_mosaic.version = 14 : i64} {
  func.func @_ffn_body(%arg0: i32, %arg1: memref<160x384xi32, #tpu.memory_space<vmem>>, %arg2: memref<1x768x1536xf32, #tpu.memory_space<vmem>>, %arg3: memref<1x1536x768xf32, #tpu.memory_space<vmem>>, %arg4: memref<160x384xi32, #tpu.memory_space<vmem>>) attributes {dimension_semantics = [#tpu.dimension_semantics<parallel>], iteration_bounds = array<i64: 64>, scalar_prefetch = 0 : i64, scratch_operands = 0 : i64, tpu.core_type = #tpu.core_type<tc>, window_params = [{transform_indices = @transform_0, window_bounds = array<i64: 160, 384>}, {transform_indices = @transform_1, window_bounds = array<i64: 1, 768, 1536>}, {transform_indices = @transform_2, window_bounds = array<i64: 1, 1536, 768>}, {transform_indices = @transform_3, window_bounds = array<i64: 160, 384>}]} {
    %get3A = arith.constant 0 : index
    %get3A_0 = arith.constant 0 : index
    %get3A_1 = vector.load %arg1[%get3A, %get3A_0] : memref<160x384xi32, #tpu.memory_space<vmem>>, vector<160x384xi32>
    %shift_left3A = arith.constant 16 : i32
    %shift_left3A_2 = vector.broadcast %shift_left3A : i32 to vector<160x384xi32>
    %shift_left3A_3 = arith.shli %get3A_1, %shift_left3A_2 : vector<160x384xi32>
    %bitcast_convert_type3A = tpu.bitcast %shift_left3A_3 : vector<160x384xi32> -> vector<160x384xf32>
    %and3A = arith.constant -65536 : i32
    %and3A_4 = vector.broadcast %and3A : i32 to vector<160x384xi32>
    %and3A_5 = arith.andi %get3A_1, %and3A_4 : vector<160x384xi32>
    %bitcast_convert_type3A_6 = tpu.bitcast %and3A_5 : vector<160x384xi32> -> vector<160x384xf32>
    %get3A_7 = arith.constant 0 : index
    %get3A_8 = arith.constant 0 : index
    %get3A_9 = arith.constant 0 : index
    %get3A_10 = vector.load %arg2[%get3A_7, %get3A_8, %get3A_9] : memref<1x768x1536xf32, #tpu.memory_space<vmem>>, vector<1x768x1536xf32>
    %get3A_11 = vector.shape_cast %get3A_10 : vector<1x768x1536xf32> to vector<768x1536xf32>
    %slice3A = vector.extract_strided_slice %get3A_11 {offsets = [0, 0], sizes = [384, 1536], strides = [1, 1]} : vector<768x1536xf32> to vector<384x1536xf32>
    %dot_general3A = arith.constant dense<0.000000e+00> : vector<160x1536xf32>
    %dot_general3A_12 = tpu.matmul %bitcast_convert_type3A, %slice3A, %dot_general3A {dimension_numbers = #tpu.dot_dimension_numbers<[1], [0], [0], [1], [0, 0, 1, 1], [], []>, transpose_lhs_hint = false} : vector<160x384xf32>, vector<384x1536xf32>, vector<160x1536xf32> -> vector<160x1536xf32>
    %slice3A_13 = vector.extract_strided_slice %get3A_11 {offsets = [384, 0], sizes = [384, 1536], strides = [1, 1]} : vector<768x1536xf32> to vector<384x1536xf32>
    %dot_general3A_14 = arith.constant dense<0.000000e+00> : vector<160x1536xf32>
    %dot_general3A_15 = tpu.matmul %bitcast_convert_type3A_6, %slice3A_13, %dot_general3A_14 {dimension_numbers = #tpu.dot_dimension_numbers<[1], [0], [0], [1], [0, 0, 1, 1], [], []>, transpose_lhs_hint = false} : vector<160x384xf32>, vector<384x1536xf32>, vector<160x1536xf32> -> vector<160x1536xf32>
    %add3A = arith.addf %dot_general3A_12, %dot_general3A_15 : vector<160x1536xf32>
    %max3A = arith.constant 0.000000e+00 : f32
    %max3A_16 = vector.broadcast %max3A : f32 to vector<160x1536xf32>
    %max3A_17 = arith.maximumf %add3A, %max3A_16 : vector<160x1536xf32>
    %get3A_18 = arith.constant 0 : index
    %get3A_19 = arith.constant 0 : index
    %get3A_20 = arith.constant 0 : index
    %get3A_21 = vector.load %arg3[%get3A_18, %get3A_19, %get3A_20] : memref<1x1536x768xf32, #tpu.memory_space<vmem>>, vector<1x1536x768xf32>
    %get3A_22 = vector.shape_cast %get3A_21 : vector<1x1536x768xf32> to vector<1536x768xf32>
    %dot_general3A_23 = arith.constant dense<0.000000e+00> : vector<160x768xf32>
    %dot_general3A_24 = tpu.matmul %max3A_17, %get3A_22, %dot_general3A_23 {dimension_numbers = #tpu.dot_dimension_numbers<[1], [0], [0], [1], [0, 0, 1, 1], [], []>, transpose_lhs_hint = false} : vector<160x1536xf32>, vector<1536x768xf32>, vector<160x768xf32> -> vector<160x768xf32>
    %slice3A_25 = vector.extract_strided_slice %dot_general3A_24 {offsets = [0, 0], sizes = [160, 384], strides = [1, 1]} : vector<160x768xf32> to vector<160x384xf32>
    %slice3A_26 = vector.extract_strided_slice %dot_general3A_24 {offsets = [0, 384], sizes = [160, 384], strides = [1, 1]} : vector<160x768xf32> to vector<160x384xf32>
    %bitcast_convert_type3A_27 = tpu.bitcast %slice3A_25 : vector<160x384xf32> -> vector<160x384xi32>
    %bitcast_convert_type3A_28 = tpu.bitcast %slice3A_26 : vector<160x384xf32> -> vector<160x384xi32>
    %add3A_29 = arith.constant 32768 : i32
    %add3A_30 = vector.broadcast %add3A_29 : i32 to vector<160x384xi32>
    %add3A_31 = arith.addi %bitcast_convert_type3A_27, %add3A_30 : vector<160x384xi32>
    %shift_right_logical3A = arith.constant 16 : i32
    %shift_right_logical3A_32 = vector.broadcast %shift_right_logical3A : i32 to vector<160x384xi32>
    %shift_right_logical3A_33 = arith.shrui %add3A_31, %shift_right_logical3A_32 : vector<160x384xi32>
    %add3A_34 = arith.constant 32768 : i32
    %add3A_35 = vector.broadcast %add3A_34 : i32 to vector<160x384xi32>
    %add3A_36 = arith.addi %bitcast_convert_type3A_28, %add3A_35 : vector<160x384xi32>
    %and3A_37 = arith.constant -65536 : i32
    %and3A_38 = vector.broadcast %and3A_37 : i32 to vector<160x384xi32>
    %and3A_39 = arith.andi %add3A_36, %and3A_38 : vector<160x384xi32>
    %or3A = arith.ori %shift_right_logical3A_33, %and3A_39 : vector<160x384xi32>
    %swap3A = arith.constant 0 : index
    %swap3A_40 = arith.constant 0 : index
    %swap3A_41 = vector.load %arg4[%swap3A, %swap3A_40] : memref<160x384xi32, #tpu.memory_space<vmem>>, vector<160x384xi32>
    tpu.vector_store %arg4[%swap3A, %swap3A_40], %or3A {strides = array<i32>} : memref<160x384xi32, #tpu.memory_space<vmem>>, vector<160x384xi32>,
    return
  }
  func.func @transform_0(%arg0: i32) -> (i32, i32) {
    %c0_i32 = arith.constant 0 : i32
    %c0_i32_0 = arith.constant 0 : i32
    return %arg0, %c0_i32 : i32, i32
  }
  func.func @transform_1(%arg0: i32) -> (i32, i32, i32) {
    %c0_i32 = arith.constant 0 : i32
    %c0_i32_0 = arith.constant 0 : i32
    %c0_i32_1 = arith.constant 0 : i32
    return %arg0, %c0_i32, %c0_i32_0 : i32, i32, i32
  }
  func.func @transform_2(%arg0: i32) -> (i32, i32, i32) {
    %c0_i32 = arith.constant 0 : i32
    %c0_i32_0 = arith.constant 0 : i32
    %c0_i32_1 = arith.constant 0 : i32
    return %arg0, %c0_i32, %c0_i32_0 : i32, i32, i32
  }
  func.func @transform_3(%arg0: i32) -> (i32, i32) {
    %c0_i32 = arith.constant 0 : i32
    %c0_i32_0 = arith.constant 0 : i32
    return %arg0, %c0_i32 : i32, i32
  }
}

</mosaic_0001>

<sc_bundles>
// kernel: kernel.10.cloned.1.call-start
scs
__scs_entry_jumppad:
0x0: {  	(pc) =	sbr.rel $0x88, $3  }
0x1: {  	(tag) =	ssettag $0x0;
	lr =	simm.s32 $0x1  }
0x2: {  	[smem:$0x3F9D] =	sst lr;
	_ =	strace $0xD0000000  }
0x3: {  	_ = 	snop  }
0x4: {  	_ = 	snop  }
0x5: {  	_ = 	snop  }
0x6: {  	_ = 	snop  }
0x7: {  	_ = 	snop  }
__scs_overlays_trampoline_lowered:
0x8: {  	[smem:$0x3FAC] =	sst s0  }
0x9: {  	[smem:$0x3FAD] =	sst s1  }
0xa: {  	[smem:$0x3FAE] =	sst s2  }
0xb: {  	[smem:$0x3FAF] =	sst s3  }
0xc: {  	[smem:$0x3FB0] =	sst s4  }
0xd: {  	[smem:$0x3FB1] =	sst s5  }
0xe: {  	[smem:$0x3FB2] =	sst s6  }
0xf: {  	[smem:$0x3FB3] =	sst s7  }
0x10: {  	[smem:$0x3FB4] =	sst s8  }
0x11: {  	[smem:$0x3FB5] =	sst s9;
	s0 =	simm.s32 @!p0 $0x0  }
0x12: {  	s1 =	sld [smem:$0x3F9B];
	s0 =	simm.s32 @p0 $0x1  }
0x13: {  	[smem:$0x3FB6] =	sst s0;
	s0 =	simm.s32 @!p1 $0x0  }
0x14: {  	s2 =	sld [smem:$0x3F9A];
	s0 =	simm.s32 @p1 $0x1  }
0x15: {  	[smem:$0x3FB7] =	sst s0;
	s0 =	simm.s32 @!p2 $0x0  }
0x16: {  	s3 =	sld [smem:$0x3FDB];
	s0 =	simm.s32 @p2 $0x1  }
0x17: {  	s4 =	simm.s32 $0x1BF5;
	[smem:$0x3FB9] =	sst s0  }
0x18: {  	s0 =	sld [smem:$0x3F9C];
	_ =	swait.ge [sflag:s4], $0x0  }
0x19: {  	s7 =	sld [smem:$0x3F9D]  }
0x1a: {  	s8 =	sadd.s32 $0xFFFFE003, lr  }
0x1b: {  	s9 =	sadd.s32 $0xFFFFFEF7, lr;
	s5 =	simm.s32 $0xFFFFFFFF;
	p2 =	slt.u32 s8, $0xFFFFF086  }
0x1c: {  	p1 =	slt.u32 s9, $0xF7A;
	s5 =	simm.s32 @!p2 $0x0  }
0x1d: {  	s5 =	simm.s32 @p1 $0x1;
	p0 =	seq.s32 s7, s2  }
0x1e: {  	s7 =	smul.u32 @!p0 $0xF7A, s2;
	p2 =	seq.s32 @!p0 s5, $0x0  }
0x1f: {  	s9 =	smul.u32 $0xF7A, s1;
	s8 =	simm.s32 @!p0 $0x1BF5;
	p2 =	por !p2, p0  }
0x20: {  	[sflag:s8] =	ssyncset.s32 @!p0 $0xFFFFF086;
	s6 =	sadd.s32 @!p0 s3, s7;
	s7 =	simm.s32 @!p0 $0x108  }
0x21: {  	s3 =	sadd.s32 s3, s9;
	s6 =	sadd.s32 @!p0 $0x88, s6;
	s7 =	simm.s32 @p2 $0x1082  }
0x22: {  	[simem:s7], [sflag:s8] =	dma.local @!p0 [hbm:s6], $0xF7A  }
0x23: {  	s9 =	sor.u32 $0xD0000000, s2;
	s6 =	simm.s32 $0x108;
	_ =	swait.ge @!p0 [sflag:s8], $0x0  }
0x24: {  	s3 =	sadd.s32 $0x88, s3;
	s6 =	simm.s32 @!p1 $0x1082;
	[sflag:s4] =	ssyncset.s32 $0xFFFFF086  }
0x25: {  	[simem:s6], [sflag:s4] =	dma.local [hbm:s3], $0xF7A  }
0x26: {  	[smem:$0x3F9D] =	sst s1;
	(tag) =	ssettag s2;
	_ =	strace s9  }
0x27: {  	s1 =	sld [smem:$0x3FAD]  }
0x28: {  	s2 =	sld [smem:$0x3FAE]  }
0x29: {  	s4 =	sld [smem:$0x3FB0]  }
0x2a: {  	p0 =	seq.s32 s5, $0x0;
	s5 =	sld [smem:$0x3FB1]  }
0x2b: {  	s6 =	sld [smem:$0x3FB2]  }
0x2c: {  	s7 =	sld [smem:$0x3FB3]  }
0x2d: {  	s3 =	simm.s32 $0x108;
	s8 =	sld [smem:$0x3FB4]  }
0x2e: {  	s3 =	simm.s32 @!p0 $0x1082;
	s9 =	sld [smem:$0x3FB5]  }
0x2f: {  	lr =	sadd.s32 s0, s3;
	s0 =	sld [smem:$0x3FAC]  }
0x30: {  	s3 =	sld [smem:$0x3FAF]  }
0x31: {  	[smem:$0x3FB8] =	sst s10  }
0x32: {  	s10 =	sld [smem:$0x3FB6];
	_ =	sdelay $0x3  }
0x33: {  	p0 =	seq.s32 s10, $0x1;
	s10 =	sld [smem:$0x3FB8];
	_ =	sdelay $0x3  }
0x34: {  	[smem:$0x3FB8] =	sst s10  }
0x35: {  	s10 =	sld [smem:$0x3FB7];
	_ =	sdelay $0x3  }
0x36: {  	p1 =	seq.s32 s10, $0x1;
	s10 =	sld [smem:$0x3FB8];
	_ =	sdelay $0x3  }
0x37: {  	[smem:$0x3FB8] =	sst s10  }
0x38: {  	s10 =	sld [smem:$0x3FB9]  }
0x39: {  	_ = 	snop;
	(pc) =	sbr.ind lr, $3  }
0x3a: {  	_ = 	snop  }
0x3b: {  	_ = 	snop  }
0x3c: {  	p2 =	seq.s32 s10, $0x1;
	s10 =	sld [smem:$0x3FB8]  }
0x3d: {  	_ =	shalt  }
0x3e: {  	_ =	shalt  }
0x3f: {  	_ =	shalt  }
0x40: {  	_ =	shalt  }
0x41: {  	_ =	shalt  }
0x42: {  	_ =	shalt  }
0x43: {  	_ =	shalt  }
0x44: {  	_ =	shalt  }
0x45: {  	_ =	shalt  }
0x46: {  	_ =	shalt  }
0x47: {  	_ =	shalt  }
0x48: {  	_ =	shalt  }
0x49: {  	_ =	shalt  }
0x4a: {  	_ =	shalt  }
0x4b: {  	_ =	shalt  }
0x4c: {  	_ =	shalt  }
0x4d: {  	_ =	shalt  }
0x4e: {  	_ =	shalt  }
0x4f: {  	_ =	shalt  }
0x50: {  	_ =	shalt  }
0x51: {  	_ =	shalt  }
0x52: {  	_ =	shalt  }
0x53: {  	_ =	shalt  }
0x54: {  	_ =	shalt  }
0x55: {  	_ =	shalt  }
0x56: {  	_ =	shalt  }
0x57: {  	_ =	shalt  }
0x58: {  	_ =	shalt  }
0x59: {  	_ =	shalt  }
0x5a: {  	_ =	shalt  }
0x5b: {  	_ =	shalt  }
0x5c: {  	_ =	shalt  }
0x5d: {  	_ =	shalt  }
0x5e: {  	_ =	shalt  }
0x5f: {  	_ =	shalt  }
0x60: {  	_ =	shalt  }
0x61: {  	_ =	shalt  }
0x62: {  	_ =	shalt  }
0x63: {  	_ =	shalt  }
0x64: {  	_ =	shalt  }
0x65: {  	_ =	shalt  }
0x66: {  	_ =	shalt  }
0x67: {  	_ =	shalt  }
0x68: {  	_ =	shalt  }
0x69: {  	_ =	shalt  }
0x6a: {  	_ =	shalt  }
0x6b: {  	_ =	shalt  }
0x6c: {  	_ =	shalt  }
0x6d: {  	_ =	shalt  }
0x6e: {  	_ =	shalt  }
0x6f: {  	_ =	shalt  }
0x70: {  	_ =	shalt  }
0x71: {  	_ =	shalt  }
0x72: {  	_ =	shalt  }
0x73: {  	_ =	shalt  }
0x74: {  	_ =	shalt  }
0x75: {  	_ =	shalt  }
0x76: {  	_ =	shalt  }
0x77: {  	_ =	shalt  }
0x78: {  	_ =	shalt  }
0x79: {  	_ =	shalt  }
0x7a: {  	_ =	shalt  }
0x7b: {  	_ =	shalt  }
0x7c: {  	_ =	shalt  }
0x7d: {  	_ =	shalt  }
0x7e: {  	_ =	shalt  }
0x7f: {  	_ =	shalt  }
0x80: {  	_ =	shalt  }
0x81: {  	_ =	shalt  }
0x82: {  	_ =	shalt  }
0x83: {  	_ =	shalt  }
0x84: {  	_ =	shalt  }
0x85: {  	_ =	shalt  }
0x86: {  	_ =	shalt  }
0x87: {  	_ =	shalt  }
.Lfunc_end0:
.L_simem_size_0:
called_computation.1_lowered:
.L_overlay_start_0:
0x88: {  	s2 =	sld [smem:$0x3FD9]  }
0x89: {  	s3 =	sld [smem:$0x3FFE];
	_ =	sdelay $0x1  }
0x8a: {  	s1 =	srdreg.scid  }
0x8b: {  	s0 =	sand.u32 $0x1, s1  }
0x8c: {  	s17 =	sshll.u32 s0, $0xA;
	s2 =	sadd.s32 s3, s2  }
0x8d: {  	s2 =	sadd.s32 s2, s17  }
0x8e: {  	[smem:$0x3FC4] =	sst s2  }
0x8f: {  	_ = 	snop  }
0x90: {  	s2 =	sld [smem:$0x3FD0];
	(tm) =	ssettm $0x1  }
0x91: {  	s18 =	sld [smem:$0x3FFB];
	_ =	sdelay $0x3  }
0x92: {  	_ =	strace s18  }
0x93: {  	s3 =	sld [smem:$0x3FFC];
	_ =	sdelay $0x3  }
0x94: {  	_ =	strace s3  }
0x95: {  	s3 =	sld [smem:$0x3FFD];
	_ =	sdelay $0x3  }
0x96: {  	_ =	strace s3  }
0x97: {  	_ =	strace $0x8FFFFFFF  }
0x98: {  	s19 =	sld [smem:$0x3FDB];
	_ =	sdelay $0x1  }
0x99: {  	s4 =	simm.s32 $_scs_section_size  }
0x9a: {  	s5 =	simm.s32 $_size__tile_overlayer_lowered;
	s6 =	simm.s32 $_tile_overlayer_lowered  }
0x9b: {  	s22 =	simm.s32 $0x1BFF;
	s21 =	sshll.u32 s6, $0x1;
	s3 =	sadd.s32 s4, s19  }
0x9c: {  	s7 =	simm.s32 $0x0;
	s20 =	sshll.u32 s5, $0x1;
	s5 =	sadd.s32 s21, s3  }
0x9d: {  	[timem:s7], [sflag:s22] =	dma.local [hbm:s5], s20  }
0x9e: {  	_ =	swait.ge [sflag:s22], s20  }
0x9f: {  	s4 =	ssub.s32 $0x0, s20;
	[sflag:s22] =	ssyncset.done $0x0  }
0xa0: {  	[sflag:s22] =	ssyncadd.s32 s4;
	_ =	sdelay $0x1  }
0xa1: {  	s23 =	simm.s32 $0x1B8B  }
0xa2: {  	_ =	swait.ge [sflag:s23], $0x1  }
0xa3: {  	[sflag:s23] =	ssyncset.done $0x0  }
0xa4: {  	s25 =	simm.s32 $0x1B8E;
	s24 =	sld [smem:$0x3FFE];
	[sflag:s23] =	ssyncadd.s32 $0xFFFFFFFF  }
0xa5: {  	s26 =	simm.s32 $execute0_lowered;
	[smem:$0x3FD2] =	sst s25  }
0xa6: {  	s5 =	sshll.u32 s26, $0x1;
	_ =	strace $0x80000049;
	[dreg:$0x1] =	wrdreg $0xFFFFFFFF  }
0xa7: {  	s28 =	simm.s32 $_size_execute0_lowered;
	s3 =	sadd.s32 s3, s5;
	[dreg:$0x0] =	wrdreg $0x0  }
0xa8: {  	s5 =	sshll.u32 s28, $0x1;
	[dreg:$0x2] =	wrdreg s3  }
0xa9: {  	[dreg:$0x3] =	wrdreg s5  }
0xaa: {  	[dreg:$0x4] =	wrdreg $0xC0  }
0xab: {  	_ =	task [dreg:s7], $0x5FFFF  }
0xac: {  	[dreg:$0x1] =	wrdreg $0xFFFFFFFF  }
0xad: {  	[dreg:$0x0] =	wrdreg $0x60  }
0xae: {  	[dreg:$0x2] =	wrdreg s2  }
0xaf: {  	[dreg:$0x3] =	wrdreg s24  }
0xb0: {  	[dreg:$0x4] =	wrdreg $0x9  }
0xb1: {  	_ =	task.clear_ibuf [dreg:s7], $0x5FFFF;
	_ =	strace $0x90000049  }
0xb2: {  	s29 =	simm.s32 $0x9;
	_ =	strace $0x8000004B  }
0xb3: {  	_ =	swait.ge [sflag:s29], $0x1  }
0xb4: {  	[sflag:s29] =	ssyncadd.s32 $0xFFFFFFFF  }
0xb5: {  	_ =	strace $0x9000004B  }
0xb6: {  	_ =	sfence  }
0xb7: {  	s30 =	sld [smem:$0x0];
	_ =	sdelay $0x2  }
0xb8: {  	s31 =	sshll.u32 s1, $0xD;
	s1 =	sshrl.u32 s1, $0x2  }
0xb9: {  	s3 =	sand.u32 $0x4000, s31;
	s1 =	sadd.s32 s1, s30  }
0xba: {  	s0 =	sor.u32 s3, s0;
	s1 =	sshll.u32 s1, $0x11  }
0xbb: {  	s0 =	sor.u32 s1, s0  }
0xbc: {  	s0 =	sadd.s32 $0x8F2B, s0  }
0xbd: {  	[sflag:s0] =	ssyncadd.remote.s32 $0x1  }
0xbe: {  	_ =	sfence.sel $0xFFFF  }
0xbf: {  	[dreg:$0x0] =	wrdreg $0xFFFFFFFF;
	(pc) =	sbr.abs _section_cstart, $3  }
0xc0: {  	[dreg:$0x1] =	wrdreg $0xFFFFFFFF  }
0xc1: {  	_ =	task.clear_ibuf [dreg:s7], $0x2FFFF;
	_ =	strace $0x9FFFFFFF  }
0xc2: {  	(tm) =	ssettm $0x7FFFFFFF  }
0xc3: {  	_ =	shalt  }
tec
execute0_lowered:
.L_overlay_start_1:
0x0: {  	(tag) =	ssettag $0x1  }
0x1: {  	s2 =	rddreg [dreg:$0x0]  }
0x2: {  	s4 =	rddreg [dreg:$0x1];
	s3 =	simm.s32 $0x0  }
0x3: {  	s8 =	simm.s32 $0x900;
	[smem:$0x7FF] =	sst s3  }
0x4: {  	s9 =	simm.s32 $0xD00;
	_ =	strace $0x8000004A;
	[dreg:$0x6] =	wrdreg s8  }
0x5: {  	s10 =	simm.s32 $0x1500;
	[dreg:$0x7] =	wrdreg s9  }
0x6: {  	s11 =	simm.s32 $0x1900;
	[dreg:$0x8] =	wrdreg s10  }
0x7: {  	s12 =	simm.s32 $0x2100;
	[dreg:$0x9] =	wrdreg s11  }
0x8: {  	s13 =	simm.s32 $0x2500;
	[dreg:$0xa] =	wrdreg s12  }
0x9: {  	s14 =	simm.s32 $0x2D00;
	[dreg:$0xb] =	wrdreg s13  }
0xa: {  	s15 =	simm.s32 $0x3100;
	[dreg:$0xc] =	wrdreg s14  }
0xb: {  	s16 =	simm.s32 $0x3900;
	[dreg:$0xd] =	wrdreg s15  }
0xc: {  	s17 =	simm.s32 $0x3D00;
	[dreg:$0xe] =	wrdreg s16  }
0xd: {  	s18 =	simm.s32 $0x4500;
	[dreg:$0xf] =	wrdreg s17  }
0xe: {  	s19 =	simm.s32 $0x4900;
	[dreg:$0x10] =	wrdreg s18  }
0xf: {  	s20 =	simm.s32 $0x5100;
	[dreg:$0x11] =	wrdreg s19  }
0x10: {  	s21 =	simm.s32 $0x5500;
	[dreg:$0x12] =	wrdreg s20  }
0x11: {  	s22 =	simm.s32 $0x5D00;
	[dreg:$0x13] =	wrdreg s21  }
0x12: {  	s23 =	simm.s32 $0x6100;
	[dreg:$0x14] =	wrdreg s22  }
0x13: {  	s24 =	simm.s32 $0x6900;
	[dreg:$0x15] =	wrdreg s23  }
0x14: {  	s25 =	simm.s32 $0x6D00;
	[dreg:$0x16] =	wrdreg s24  }
0x15: {  	s0 =	stileid.u32;
	s26 =	simm.s32 $0x7500;
	[dreg:$0x17] =	wrdreg s25  }
0x16: {  	s5 =	sshll.u32 s0, $0x1;
	s0 =	simm.s32 $0x7900;
	[dreg:$0x18] =	wrdreg s26  }
0x17: {  	[dreg:$0x19] =	wrdreg s0;
	s8 =	simm.s32 $0x9100  }
0x18: {  	s9 =	simm.s32 $0x9900;
	[dreg:$0x1d] =	wrdreg s8  }
0x19: {  	s10 =	simm.s32 $0x9D00;
	[dreg:$0x1e] =	wrdreg s9  }
0x1a: {  	s11 =	simm.s32 $0xA500;
	[dreg:$0x1f] =	wrdreg s10  }
0x1b: {  	s12 =	simm.s32 $0xA900;
	[smem:$0x7EF] =	sst s11  }
0x1c: {  	s13 =	simm.s32 $0xB100;
	[smem:$0x7F0] =	sst s12  }
0x1d: {  	s14 =	simm.s32 $0xB500;
	[smem:$0x7F1] =	sst s13  }
0x1e: {  	s1 =	srdreg.scid;
	s15 =	simm.s32 $0xBD00;
	[smem:$0x7F2] =	sst s14  }
0x1f: {  	s28 =	simm.s32 $0x17100;
	s16 =	simm.s32 $0xC900;
	[smem:$0x7F3] =	sst s15  }
0x20: {  	s29 =	simm.s32 $0x17500;
	s17 =	simm.s32 $0xCD00;
	[smem:$0x7F4] =	sst s16  }
0x21: {  	s30 =	simm.s32 $0x17D00;
	s18 =	simm.s32 $0xD500;
	[smem:$0x7F5] =	sst s17  }
0x22: {  	s31 =	simm.s32 $0x1;
	s20 =	simm.s32 $0xD900;
	[smem:$0x7F6] =	sst s18  }
0x23: {  	s1 =	sand.u32 $0x1, s1;
	s21 =	simm.s32 $0xE100;
	[smem:$0x7F7] =	sst s20  }
0x24: {  	s5 =	sor.u32 s1, s5;
	s22 =	simm.s32 $0xE500;
	[smem:$0x7F8] =	sst s21  }
0x25: {  	s1 =	ssub.s32 $0x2, s1;
	s23 =	simm.s32 $0xED00;
	[smem:$0x7F9] =	sst s22  }
0x26: {  	s24 =	simm.s32 $0xF100;
	s25 =	simm.s32 $0xF900;
	[smem:$0x7FA] =	sst s23  }
0x27: {  	s26 =	simm.s32 $0xFD00;
	s7 =	smul.u32 $0x18000, s5;
	[smem:$0x7FB] =	sst s24  }
0x28: {  	s6 =	sshll.u32 s5, $0x5;
	s5 =	smul.u32 $0x3000, s5;
	[smem:$0x7FC] =	sst s25  }
0x29: {  	s19 =	sshrl.u32 s1, $0x1;
	s8 =	simm.s32 $0xC100;
	[smem:$0x7FD] =	sst s26  }
0x2a: {  	s10 =	simm.s32 $0x10900;
	s11 =	simm.s32 $0x11100;
	s12 =	simm.s32 $0x11500  }
0x2b: {  	s13 =	simm.s32 $0x11D00;
	s14 =	simm.s32 $0x12100;
	s15 =	simm.s32 $0x12900  }
0x2c: {  	s16 =	simm.s32 $0x12D00;
	s17 =	simm.s32 $0x13500;
	s18 =	simm.s32 $0x13900  }
0x2d: {  	s20 =	simm.s32 $0x14500;
	s21 =	simm.s32 $0x14D00;
	s22 =	simm.s32 $0x15100  }
0x2e: {  	s23 =	simm.s32 $0x15900;
	s24 =	simm.s32 $0x15D00;
	s6 =	sadd.s32 s6, s4  }
0x2f: {  	s25 =	simm.s32 $0x16500;
	s4 =	sadd.s32 $0x1800, s4;
	s6 =	sadd.s32 $0x61C00, s6  }
0x30: {  	s26 =	simm.s32 $0x16900;
	s5 =	sadd.s32 s4, s5;
	[dreg:$0x3] =	wrdreg s6  }
0x31: {  	s1 =	ssub.s32 s1, s19;
	[dreg:$0x4] =	wrdreg s5;
	s5 =	simm.s32 $0x8100  }
0x32: {  	s7 =	sshrl.u32 s7, $0x3;
	s6 =	simm.s32 $0x8500;
	[dreg:$0x1a] =	wrdreg s5  }
0x33: {  	s4 =	sadd.s32 s4, s7;
	s7 =	simm.s32 $0x8D00;
	[dreg:$0x1b] =	wrdreg s6  }
0x34: {  	v2 =	vlaneseq.u32;
	s19 =	simm.s32 $0x14100;
	s4 =	sadd.s32 $0x1800, s4;
	[dreg:$0x1c] =	wrdreg s7  }
0x35: {  	vm0 =	vmmov $0xffff;
	vm1 =	vmmov $0xff;
	v1 =	vshrl.u32 v2, $0x3;
	s5 =	smax.u32 s1, $0x1;
	s6 =	simm.s32 $0x3;
	s7 =	simm.s32 $0x100  }
0x36: {  	v0 =	vand.u32 $0x7, v2;
	v2 =	vor.u32 $0x8, v2;
	v1 =	vmul.u32 $0x8, v1;
	s1 =	simm.s32 $0x2;
	[dreg:$0x5] =	wrdreg s4;
	s4 =	sadd.s32 $0x100, s2  }
.LBB2_1:
0x37: {  	s0 =	rddreg [dreg:$0x3]  }
0x38: {  	[tilespmem:s3], [sflag:$0x3] =	stream.linear.gather [hbm4b:s0+s3], $0x100, $0x38;
	[tilespmem:$0x18100] =	vst v63  }
0x39: {  	_ =	swait.ge [sflag:s6], $0x100  }
0x3a: {  	[sflag:s6] =	ssyncset.done $0x0  }
0x3b: {  	[sflag:s6] =	ssyncadd.s32 $0xFFFFFF00  }
0x3c: {  	v3 =	vld [tilespmem:$0x0];
	_ =	sdelay $0x4  }
0x3d: {  	v4 =	vshrl.u32 v3, $0x3  }
0x3e: {  	v4 =	vmul.u32 $0x18, v4  }
0x3f: {  	v3 =	vand.u32 $0x7, v3  }
0x40: {  	v3 =	vor.u32 v3, v4  }
0x41: {  	v4 =	vperm.xlane v3, v0;
	_ =	sdelay $0x1  }
0x42: {  	v4 =	vadd.s32 v1, v4;
	_ =	sdelay $0x1  }
0x43: {  	v3 =	vperm.xlane v3, v2;
	_ =	sdelay $0x1  }
0x44: {  	v3 =	vadd.s32 v1, v3  }
0x45: {  	[tilespmem:s7], [sflag:$0x1] =	stream.indirect_vreg.gather [hbm4b:s2+s3], $0x80, v4, vm0, $0xb8;
	[tilespmem:$0x18100] =	vst v63  }
0x46: {  	s0 =	rddreg [dreg:$0x6]  }
0x47: {  	[tilespmem:s0], [sflag:$0x1] =	stream.indirect_vreg.gather [hbm4b:s4+s3], $0x80, v4, vm1, $0xb8;
	[tilespmem:$0x18100] =	vst v63  }
0x48: {  	s9 =	rddreg [dreg:$0x7]  }
0x49: {  	[tilespmem:s9], [sflag:$0x1] =	stream.indirect_vreg.gather [hbm4b:s2+s3], $0x80, v3, vm0, $0xb8;
	[tilespmem:$0x18100] =	vst v63  }
0x4a: {  	s0 =	rddreg [dreg:$0x8]  }
0x4b: {  	[tilespmem:s0], [sflag:$0x1] =	stream.indirect_vreg.gather [hbm4b:s4+s3], $0x80, v3, vm1, $0xb8;
	[tilespmem:$0x18100] =	vst v63  }
0x4c: {  	v3 =	vld [tilespmem:$0x10];
	_ =	sdelay $0x4  }
0x4d: {  	v49 =	vshrl.u32 v3, $0x3  }
0x4e: {  	v4 =	vmul.u32 $0x18, v49  }
0x4f: {  	v3 =	vand.u32 $0x7, v3  }
0x50: {  	v3 =	vor.u32 v3, v4  }
0x51: {  	v4 =	vperm.xlane v3, v0;
	_ =	sdelay $0x1  }
0x52: {  	v4 =	vadd.s32 v1, v4;
	_ =	sdelay $0x1  }
0x53: {  	v3 =	vperm.xlane v3, v2;
	_ =	sdelay $0x1  }
0x54: {  	s0 =	rddreg [dreg:$0x9];
	v3 =	vadd.s32 v1, v3  }
0x55: {  	[tilespmem:s0], [sflag:$0x1] =	stream.indirect_vreg.gather [hbm4b:s2+s3], $0x80, v4, vm0, $0xb8;
	[tilespmem:$0x18100] =	vst v63  }
0x56: {  	s9 =	rddreg [dreg:$0xa]  }
0x57: {  	[tilespmem:s9], [sflag:$0x1] =	stream.indirect_vreg.gather [hbm4b:s4+s3], $0x80, v4, vm1, $0xb8;
	[tilespmem:$0x18100] =	vst v63  }
0x58: {  	s0 =	rddreg [dreg:$0xb]  }
0x59: {  	[tilespmem:s0], [sflag:$0x1] =	stream.indirect_vreg.gather [hbm4b:s2+s3], $0x80, v3, vm0, $0xb8;
	[tilespmem:$0x18100] =	vst v63  }
0x5a: {  	s9 =	rddreg [dreg:$0xc]  }
0x5b: {  	[tilespmem:s9], [sflag:$0x1] =	stream.indirect_vreg.gather [hbm4b:s4+s3], $0x80, v3, vm1, $0xb8;
	[tilespmem:$0x18100] =	vst v63  }
0x5c: {  	v3 =	vld [tilespmem:$0x20];
	_ =	sdelay $0x4  }
0x5d: {  	v50 =	vshrl.u32 v3, $0x3  }
0x5e: {  	v4 =	vmul.u32 $0x18, v50  }
0x5f: {  	v3 =	vand.u32 $0x7, v3  }
0x60: {  	v3 =	vor.u32 v3, v4  }
0x61: {  	v4 =	vperm.xlane v3, v0;
	_ =	sdelay $0x1  }
0x62: {  	v4 =	vadd.s32 v1, v4;
	_ =	sdelay $0x1  }
0x63: {  	v3 =	vperm.xlane v3, v2;
	_ =	sdelay $0x1  }
0x64: {  	s0 =	rddreg [dreg:$0xd];
	v3 =	vadd.s32 v1, v3  }
0x65: {  	[tilespmem:s0], [sflag:$0x1] =	stream.indirect_vreg.gather [hbm4b:s2+s3], $0x80, v4, vm0, $0xb8;
	[tilespmem:$0x18100] =	vst v63  }
0x66: {  	s9 =	rddreg [dreg:$0xe]  }
0x67: {  	[tilespmem:s9], [sflag:$0x1] =	stream.indirect_vreg.gather [hbm4b:s4+s3], $0x80, v4, vm1, $0xb8;
	[tilespmem:$0x18100] =	vst v63  }
0x68: {  	s0 =	rddreg [dreg:$0xf]  }
0x69: {  	[tilespmem:s0], [sflag:$0x1] =	stream.indirect_vreg.gather [hbm4b:s2+s3], $0x80, v3, vm0, $0xb8;
	[tilespmem:$0x18100] =	vst v63  }
0x6a: {  	s9 =	rddreg [dreg:$0x10]  }
0x6b: {  	[tilespmem:s9], [sflag:$0x1] =	stream.indirect_vreg.gather [hbm4b:s4+s3], $0x80, v3, vm1, $0xb8;
	[tilespmem:$0x18100] =	vst v63  }
0x6c: {  	v3 =	vld [tilespmem:$0x30];
	_ =	sdelay $0x4  }
0x6d: {  	v51 =	vshrl.u32 v3, $0x3  }
0x6e: {  	v4 =	vmul.u32 $0x18, v51  }
0x6f: {  	v3 =	vand.u32 $0x7, v3  }
0x70: {  	v3 =	vor.u32 v3, v4  }
0x71: {  	v4 =	vperm.xlane v3, v0;
	_ =	sdelay $0x1  }
0x72: {  	v4 =	vadd.s32 v1, v4;
	_ =	sdelay $0x1  }
0x73: {  	v3 =	vperm.xlane v3, v2;
	_ =	sdelay $0x1  }
0x74: {  	s0 =	rddreg [dreg:$0x11];
	v3 =	vadd.s32 v1, v3  }
0x75: {  	[tilespmem:s0], [sflag:$0x1] =	stream.indirect_vreg.gather [hbm4b:s2+s3], $0x80, v4, vm0, $0xb8;
	[tilespmem:$0x18100] =	vst v63  }
0x76: {  	s9 =	rddreg [dreg:$0x12]  }
0x77: {  	[tilespmem:s9], [sflag:$0x1] =	stream.indirect_vreg.gather [hbm4b:s4+s3], $0x80, v4, vm1, $0xb8;
	[tilespmem:$0x18100] =	vst v63  }
0x78: {  	s0 =	rddreg [dreg:$0x13]  }
0x79: {  	[tilespmem:s0], [sflag:$0x1] =	stream.indirect_vreg.gather [hbm4b:s2+s3], $0x80, v3, vm0, $0xb8;
	[tilespmem:$0x18100] =	vst v63  }
0x7a: {  	s9 =	rddreg [dreg:$0x14]  }
0x7b: {  	[tilespmem:s9], [sflag:$0x1] =	stream.indirect_vreg.gather [hbm4b:s4+s3], $0x80, v3, vm1, $0xb8;
	[tilespmem:$0x18100] =	vst v63  }
0x7c: {  	v3 =	vld [tilespmem:$0x40];
	_ =	sdelay $0x4  }
0x7d: {  	v52 =	vshrl.u32 v3, $0x3  }
0x7e: {  	v4 =	vmul.u32 $0x18, v52  }
0x7f: {  	v3 =	vand.u32 $0x7, v3  }
0x80: {  	v3 =	vor.u32 v3, v4  }
0x81: {  	v4 =	vperm.xlane v3, v0;
	_ =	sdelay $0x1  }
0x82: {  	v4 =	vadd.s32 v1, v4;
	_ =	sdelay $0x1  }
0x83: {  	v3 =	vperm.xlane v3, v2;
	_ =	sdelay $0x1  }
0x84: {  	s0 =	rddreg [dreg:$0x15];
	v3 =	vadd.s32 v1, v3  }
0x85: {  	[tilespmem:s0], [sflag:$0x1] =	stream.indirect_vreg.gather [hbm4b:s2+s3], $0x80, v4, vm0, $0xb8;
	[tilespmem:$0x18100] =	vst v63  }
0x86: {  	s9 =	rddreg [dreg:$0x16]  }
0x87: {  	[tilespmem:s9], [sflag:$0x1] =	stream.indirect_vreg.gather [hbm4b:s4+s3], $0x80, v4, vm1, $0xb8;
	[tilespmem:$0x18100] =	vst v63  }
0x88: {  	s0 =	rddreg [dreg:$0x17]  }
0x89: {  	[tilespmem:s0], [sflag:$0x1] =	stream.indirect_vreg.gather [hbm4b:s2+s3], $0x80, v3, vm0, $0xb8;
	[tilespmem:$0x18100] =	vst v63  }
0x8a: {  	s9 =	rddreg [dreg:$0x18]  }
0x8b: {  	[tilespmem:s9], [sflag:$0x1] =	stream.indirect_vreg.gather [hbm4b:s4+s3], $0x80, v3, vm1, $0xb8;
	[tilespmem:$0x18100] =	vst v63  }
0x8c: {  	v3 =	vld [tilespmem:$0x50];
	_ =	sdelay $0x4  }
0x8d: {  	v53 =	vshrl.u32 v3, $0x3  }
0x8e: {  	v4 =	vmul.u32 $0x18, v53  }
0x8f: {  	v3 =	vand.u32 $0x7, v3  }
0x90: {  	v3 =	vor.u32 v3, v4  }
0x91: {  	v4 =	vperm.xlane v3, v0;
	_ =	sdelay $0x1  }
0x92: {  	v4 =	vadd.s32 v1, v4;
	_ =	sdelay $0x1  }
0x93: {  	v3 =	vperm.xlane v3, v2;
	_ =	sdelay $0x1  }
0x94: {  	s0 =	rddreg [dreg:$0x19];
	v3 =	vadd.s32 v1, v3  }
0x95: {  	[tilespmem:s0], [sflag:$0x1] =	stream.indirect_vreg.gather [hbm4b:s2+s3], $0x80, v4, vm0, $0xb8;
	[tilespmem:$0x18100] =	vst v63  }
0x96: {  	s9 =	rddreg [dreg:$0x1a]  }
0x97: {  	[tilespmem:s9], [sflag:$0x1] =	stream.indirect_vreg.gather [hbm4b:s4+s3], $0x80, v4, vm1, $0xb8;
	[tilespmem:$0x18100] =	vst v63  }
0x98: {  	s0 =	rddreg [dreg:$0x1b]  }
0x99: {  	[tilespmem:s0], [sflag:$0x1] =	stream.indirect_vreg.gather [hbm4b:s2+s3], $0x80, v3, vm0, $0xb8;
	[tilespmem:$0x18100] =	vst v63  }
0x9a: {  	s9 =	rddreg [dreg:$0x1c]  }
0x9b: {  	[tilespmem:s9], [sflag:$0x1] =	stream.indirect_vreg.gather [hbm4b:s4+s3], $0x80, v3, vm1, $0xb8;
	[tilespmem:$0x18100] =	vst v63  }
0x9c: {  	v3 =	vld [tilespmem:$0x60];
	_ =	sdelay $0x4  }
0x9d: {  	v54 =	vshrl.u32 v3, $0x3  }
0x9e: {  	v4 =	vmul.u32 $0x18, v54  }
0x9f: {  	v3 =	vand.u32 $0x7, v3  }
0xa0: {  	v3 =	vor.u32 v3, v4  }
0xa1: {  	v4 =	vperm.xlane v3, v0;
	_ =	sdelay $0x1  }
0xa2: {  	v4 =	vadd.s32 v1, v4;
	_ =	sdelay $0x1  }
0xa3: {  	v3 =	vperm.xlane v3, v2  }
0xa4: {  	s0 =	rddreg [dreg:$0x1d]  }
0xa5: {  	s9 =	rddreg [dreg:$0x1e];
	v3 =	vadd.s32 v1, v3  }
0xa6: {  	[tilespmem:s0], [sflag:$0x1] =	stream.indirect_vreg.gather [hbm4b:s2+s3], $0x80, v4, vm0, $0xb8;
	[tilespmem:$0x18100] =	vst v63  }
0xa7: {  	s0 =	rddreg [dreg:$0x1f]  }
0xa8: {  	[tilespmem:s9], [sflag:$0x1] =	stream.indirect_vreg.gather [hbm4b:s4+s3], $0x80, v4, vm1, $0xb8;
	[tilespmem:$0x18100] =	vst v63  }
0xa9: {  	s9 =	sld [smem:$0x7EF]  }
0xaa: {  	[tilespmem:s0], [sflag:$0x1] =	stream.indirect_vreg.gather [hbm4b:s2+s3], $0x80, v3, vm0, $0xb8;
	[tilespmem:$0x18100] =	vst v63  }
0xab: {  	_ = 	snop  }
0xac: {  	[tilespmem:s9], [sflag:$0x1] =	stream.indirect_vreg.gather [hbm4b:s4+s3], $0x80, v3, vm1, $0xb8;
	[tilespmem:$0x18100] =	vst v63  }
0xad: {  	v3 =	vld [tilespmem:$0x70];
	_ =	sdelay $0x4  }
0xae: {  	v55 =	vshrl.u32 v3, $0x3  }
0xaf: {  	v4 =	vmul.u32 $0x18, v55  }
0xb0: {  	v3 =	vand.u32 $0x7, v3  }
0xb1: {  	v3 =	vor.u32 v3, v4  }
0xb2: {  	v4 =	vperm.xlane v3, v0;
	_ =	sdelay $0x1  }
0xb3: {  	v4 =	vadd.s32 v1, v4;
	_ =	sdelay $0x1  }
0xb4: {  	s0 =	sld [smem:$0x7F0];
	v3 =	vperm.xlane v3, v2;
	_ =	sdelay $0x1  }
0xb5: {  	s9 =	sld [smem:$0x7F1];
	v3 =	vadd.s32 v1, v3  }
0xb6: {  	[tilespmem:s0], [sflag:$0x1] =	stream.indirect_vreg.gather [hbm4b:s2+s3], $0x80, v4, vm0, $0xb8;
	[tilespmem:$0x18100] =	vst v63  }
0xb7: {  	s0 =	sld [smem:$0x7F2]  }
0xb8: {  	[tilespmem:s9], [sflag:$0x1] =	stream.indirect_vreg.gather [hbm4b:s4+s3], $0x80, v4, vm1, $0xb8;
	[tilespmem:$0x18100] =	vst v63  }
0xb9: {  	s9 =	sld [smem:$0x7F3]  }
0xba: {  	[tilespmem:s0], [sflag:$0x1] =	stream.indirect_vreg.gather [hbm4b:s2+s3], $0x80, v3, vm0, $0xb8;
	[tilespmem:$0x18100] =	vst v63  }
0xbb: {  	_ = 	snop  }
0xbc: {  	[tilespmem:s9], [sflag:$0x1] =	stream.indirect_vreg.gather [hbm4b:s4+s3], $0x80, v3, vm1, $0xb8;
	[tilespmem:$0x18100] =	vst v63  }
0xbd: {  	v3 =	vld [tilespmem:$0x80];
	_ =	sdelay $0x4  }
0xbe: {  	v56 =	vshrl.u32 v3, $0x3  }
0xbf: {  	v4 =	vmul.u32 $0x18, v56  }
0xc0: {  	v3 =	vand.u32 $0x7, v3  }
0xc1: {  	v3 =	vor.u32 v3, v4  }
0xc2: {  	v4 =	vperm.xlane v3, v0;
	_ =	sdelay $0x1  }
0xc3: {  	v4 =	vadd.s32 v1, v4;
	_ =	sdelay $0x1  }
0xc4: {  	v3 =	vperm.xlane v3, v2;
	_ =	sdelay $0x1  }
0xc5: {  	s0 =	sld [smem:$0x7F4];
	v3 =	vadd.s32 v1, v3  }
0xc6: {  	[tilespmem:s8], [sflag:$0x2] =	stream.indirect_vreg.gather [hbm4b:s2+s3], $0x80, v4, vm0, $0xb8;
	[tilespmem:$0x18100] =	vst v63  }
0xc7: {  	s9 =	sld [smem:$0x7F5]  }
0xc8: {  	[tilespmem:s0], [sflag:$0x2] =	stream.indirect_vreg.gather [hbm4b:s4+s3], $0x80, v4, vm1, $0xb8;
	[tilespmem:$0x18100] =	vst v63  }
0xc9: {  	s0 =	sld [smem:$0x7F6]  }
0xca: {  	[tilespmem:s9], [sflag:$0x2] =	stream.indirect_vreg.gather [hbm4b:s2+s3], $0x80, v3, vm0, $0xb8;
	[tilespmem:$0x18100] =	vst v63  }
0xcb: {  	_ = 	snop  }
0xcc: {  	[tilespmem:s0], [sflag:$0x2] =	stream.indirect_vreg.gather [hbm4b:s4+s3], $0x80, v3, vm1, $0xb8;
	[tilespmem:$0x18100] =	vst v63  }
0xcd: {  	v3 =	vld [tilespmem:$0x90];
	_ =	sdelay $0x4  }
0xce: {  	v57 =	vshrl.u32 v3, $0x3  }
0xcf: {  	v4 =	vmul.u32 $0x18, v57  }
0xd0: {  	v3 =	vand.u32 $0x7, v3  }
0xd1: {  	v3 =	vor.u32 v3, v4  }
0xd2: {  	v4 =	vperm.xlane v3, v0;
	_ =	sdelay $0x1  }
0xd3: {  	v4 =	vadd.s32 v1, v4;
	_ =	sdelay $0x1  }
0xd4: {  	s0 =	sld [smem:$0x7F7];
	v3 =	vperm.xlane v3, v2;
	_ =	sdelay $0x1  }
0xd5: {  	s9 =	sld [smem:$0x7F8];
	v3 =	vadd.s32 v1, v3  }
0xd6: {  	[tilespmem:s0], [sflag:$0x2] =	stream.indirect_vreg.gather [hbm4b:s2+s3], $0x80, v4, vm0, $0xb8;
	[tilespmem:$0x18100] =	vst v63  }
0xd7: {  	s0 =	sld [smem:$0x7F9]  }
0xd8: {  	[tilespmem:s9], [sflag:$0x2] =	stream.indirect_vreg.gather [hbm4b:s4+s3], $0x80, v4, vm1, $0xb8;
	[tilespmem:$0x18100] =	vst v63  }
0xd9: {  	s9 =	sld [smem:$0x7FA]  }
0xda: {  	[tilespmem:s0], [sflag:$0x2] =	stream.indirect_vreg.gather [hbm4b:s2+s3], $0x80, v3, vm0, $0xb8;
	[tilespmem:$0x18100] =	vst v63  }
0xdb: {  	_ = 	snop  }
0xdc: {  	[tilespmem:s9], [sflag:$0x2] =	stream.indirect_vreg.gather [hbm4b:s4+s3], $0x80, v3, vm1, $0xb8;
	[tilespmem:$0x18100] =	vst v63  }
0xdd: {  	v3 =	vld [tilespmem:$0xA0];
	_ =	sdelay $0x4  }
0xde: {  	v58 =	vshrl.u32 v3, $0x3  }
0xdf: {  	v4 =	vmul.u32 $0x18, v58  }
0xe0: {  	v3 =	vand.u32 $0x7, v3  }
0xe1: {  	v3 =	vor.u32 v3, v4  }
0xe2: {  	v4 =	vperm.xlane v3, v0;
	_ =	sdelay $0x1  }
0xe3: {  	v4 =	vadd.s32 v1, v4;
	_ =	sdelay $0x1  }
0xe4: {  	s0 =	sld [smem:$0x7FB];
	v3 =	vperm.xlane v3, v2;
	_ =	sdelay $0x1  }
0xe5: {  	s9 =	sld [smem:$0x7FC];
	v3 =	vadd.s32 v1, v3  }
0xe6: {  	[tilespmem:s0], [sflag:$0x2] =	stream.indirect_vreg.gather [hbm4b:s2+s3], $0x80, v4, vm0, $0xb8;
	[tilespmem:$0x18100] =	vst v63  }
0xe7: {  	s0 =	sld [smem:$0x7FD]  }
0xe8: {  	[tilespmem:s9], [sflag:$0x2] =	stream.indirect_vreg.gather [hbm4b:s4+s3], $0x80, v4, vm1, $0xb8;
	[tilespmem:$0x18100] =	vst v63  }
0xe9: {  	_ = 	snop  }
0xea: {  	[tilespmem:s0], [sflag:$0x2] =	stream.indirect_vreg.gather [hbm4b:s2+s3], $0x80, v3, vm0, $0xb8;
	[tilespmem:$0x18100] =	vst v63  }
0xeb: {  	s9 =	simm.s32 $0x10500  }
0xec: {  	[tilespmem:s9], [sflag:$0x2] =	stream.indirect_vreg.gather [hbm4b:s4+s3], $0x80, v3, vm1, $0xb8;
	[tilespmem:$0x18100] =	vst v63  }
0xed: {  	v3 =	vld [tilespmem:$0xB0];
	_ =	sdelay $0x4  }
0xee: {  	v59 =	vshrl.u32 v3, $0x3  }
0xef: {  	v4 =	vmul.u32 $0x18, v59  }
0xf0: {  	v3 =	vand.u32 $0x7, v3  }
0xf1: {  	v3 =	vor.u32 v3, v4  }
0xf2: {  	v4 =	vperm.xlane v3, v0;
	_ =	sdelay $0x1  }
0xf3: {  	v4 =	vadd.s32 v1, v4;
	_ =	sdelay $0x1  }
0xf4: {  	v3 =	vperm.xlane v3, v2;
	_ =	sdelay $0x1  }
0xf5: {  	v3 =	vadd.s32 v1, v3  }
0xf6: {  	[tilespmem:s10], [sflag:$0x2] =	stream.indirect_vreg.gather [hbm4b:s2+s3], $0x80, v4, vm0, $0xb8;
	[tilespmem:$0x18100] =	vst v63  }
0xf7: {  	_ = 	snop  }
0xf8: {  	[tilespmem:s11], [sflag:$0x2] =	stream.indirect_vreg.gather [hbm4b:s4+s3], $0x80, v4, vm1, $0xb8;
	[tilespmem:$0x18100] =	vst v63  }
0xf9: {  	_ = 	snop  }
0xfa: {  	[tilespmem:s12], [sflag:$0x2] =	stream.indirect_vreg.gather [hbm4b:s2+s3], $0x80, v3, vm0, $0xb8;
	[tilespmem:$0x18100] =	vst v63  }
0xfb: {  	_ = 	snop  }
0xfc: {  	[tilespmem:s13], [sflag:$0x2] =	stream.indirect_vreg.gather [hbm4b:s4+s3], $0x80, v3, vm1, $0xb8;
	[tilespmem:$0x18100] =	vst v63  }
0xfd: {  	v3 =	vld [tilespmem:$0xC0];
	_ =	sdelay $0x4  }
0xfe: {  	v60 =	vshrl.u32 v3, $0x3  }
0xff: {  	v4 =	vmul.u32 $0x18, v60  }
0x100: {  	v3 =	vand.u32 $0x7, v3  }
0x101: {  	v3 =	vor.u32 v3, v4  }
0x102: {  	v4 =	vperm.xlane v3, v0;
	_ =	sdelay $0x1  }
0x103: {  	v4 =	vadd.s32 v1, v4;
	_ =	sdelay $0x1  }
0x104: {  	v3 =	vperm.xlane v3, v2;
	_ =	sdelay $0x1  }
0x105: {  	v3 =	vadd.s32 v1, v3  }
0x106: {  	[tilespmem:s14], [sflag:$0x2] =	stream.indirect_vreg.gather [hbm4b:s2+s3], $0x80, v4, vm0, $0xb8;
	[tilespmem:$0x18100] =	vst v63  }
0x107: {  	_ = 	snop  }
0x108: {  	[tilespmem:s15], [sflag:$0x2] =	stream.indirect_vreg.gather [hbm4b:s4+s3], $0x80, v4, vm1, $0xb8;
	[tilespmem:$0x18100] =	vst v63  }
0x109: {  	_ = 	snop  }
0x10a: {  	[tilespmem:s16], [sflag:$0x2] =	stream.indirect_vreg.gather [hbm4b:s2+s3], $0x80, v3, vm0, $0xb8;
	[tilespmem:$0x18100] =	vst v63  }
0x10b: {  	_ = 	snop  }
0x10c: {  	[tilespmem:s17], [sflag:$0x2] =	stream.indirect_vreg.gather [hbm4b:s4+s3], $0x80, v3, vm1, $0xb8;
	[tilespmem:$0x18100] =	vst v63  }
0x10d: {  	v3 =	vld [tilespmem:$0xD0];
	_ =	sdelay $0x4  }
0x10e: {  	v61 =	vshrl.u32 v3, $0x3  }
0x10f: {  	v4 =	vmul.u32 $0x18, v61  }
0x110: {  	v3 =	vand.u32 $0x7, v3  }
0x111: {  	v3 =	vor.u32 v3, v4  }
0x112: {  	v4 =	vperm.xlane v3, v0;
	_ =	sdelay $0x1  }
0x113: {  	v4 =	vadd.s32 v1, v4;
	_ =	sdelay $0x1  }
0x114: {  	v3 =	vperm.xlane v3, v2;
	_ =	sdelay $0x1  }
0x115: {  	v3 =	vadd.s32 v1, v3  }
0x116: {  	[tilespmem:s18], [sflag:$0x2] =	stream.indirect_vreg.gather [hbm4b:s2+s3], $0x80, v4, vm0, $0xb8;
	[tilespmem:$0x18100] =	vst v63  }
0x117: {  	_ = 	snop  }
0x118: {  	[tilespmem:s19], [sflag:$0x2] =	stream.indirect_vreg.gather [hbm4b:s4+s3], $0x80, v4, vm1, $0xb8;
	[tilespmem:$0x18100] =	vst v63  }
0x119: {  	_ = 	snop  }
0x11a: {  	[tilespmem:s20], [sflag:$0x2] =	stream.indirect_vreg.gather [hbm4b:s2+s3], $0x80, v3, vm0, $0xb8;
	[tilespmem:$0x18100] =	vst v63  }
0x11b: {  	_ = 	snop  }
0x11c: {  	[tilespmem:s21], [sflag:$0x2] =	stream.indirect_vreg.gather [hbm4b:s4+s3], $0x80, v3, vm1, $0xb8;
	[tilespmem:$0x18100] =	vst v63  }
0x11d: {  	v3 =	vld [tilespmem:$0xE0];
	_ =	sdelay $0x4  }
0x11e: {  	v62 =	vshrl.u32 v3, $0x3  }
0x11f: {  	v4 =	vmul.u32 $0x18, v62  }
0x120: {  	v3 =	vand.u32 $0x7, v3  }
0x121: {  	v3 =	vor.u32 v3, v4  }
0x122: {  	v4 =	vperm.xlane v3, v0;
	_ =	sdelay $0x1  }
0x123: {  	v4 =	vadd.s32 v1, v4;
	_ =	sdelay $0x1  }
0x124: {  	v3 =	vperm.xlane v3, v2;
	_ =	sdelay $0x1  }
0x125: {  	v3 =	vadd.s32 v1, v3  }
0x126: {  	[tilespmem:s22], [sflag:$0x2] =	stream.indirect_vreg.gather [hbm4b:s2+s3], $0x80, v4, vm0, $0xb8;
	[tilespmem:$0x18100] =	vst v63  }
0x127: {  	_ = 	snop  }
0x128: {  	[tilespmem:s23], [sflag:$0x2] =	stream.indirect_vreg.gather [hbm4b:s4+s3], $0x80, v4, vm1, $0xb8;
	[tilespmem:$0x18100] =	vst v63  }
0x129: {  	_ = 	snop  }
0x12a: {  	[tilespmem:s24], [sflag:$0x2] =	stream.indirect_vreg.gather [hbm4b:s2+s3], $0x80, v3, vm0, $0xb8;
	[tilespmem:$0x18100] =	vst v63  }
0x12b: {  	_ = 	snop  }
0x12c: {  	[tilespmem:s25], [sflag:$0x2] =	stream.indirect_vreg.gather [hbm4b:s4+s3], $0x80, v3, vm1, $0xb8;
	[tilespmem:$0x18100] =	vst v63  }
0x12d: {  	v3 =	vld [tilespmem:$0xF0];
	_ =	sdelay $0x4  }
0x12e: {  	v63 =	vshrl.u32 v3, $0x3  }
0x12f: {  	v4 =	vmul.u32 $0x18, v63  }
0x130: {  	v3 =	vand.u32 $0x7, v3  }
0x131: {  	v3 =	vor.u32 v3, v4  }
0x132: {  	v4 =	vperm.xlane v3, v0;
	_ =	sdelay $0x1  }
0x133: {  	v4 =	vadd.s32 v1, v4;
	_ =	sdelay $0x1  }
0x134: {  	v3 =	vperm.xlane v3, v2;
	_ =	sdelay $0x1  }
0x135: {  	v3 =	vadd.s32 v1, v3  }
0x136: {  	[tilespmem:s26], [sflag:$0x2] =	stream.indirect_vreg.gather [hbm4b:s2+s3], $0x80, v4, vm0, $0xb8;
	[tilespmem:$0x18100] =	vst v63  }
0x137: {  	_ = 	snop  }
0x138: {  	[tilespmem:s28], [sflag:$0x2] =	stream.indirect_vreg.gather [hbm4b:s4+s3], $0x80, v4, vm1, $0xb8;
	[tilespmem:$0x18100] =	vst v63  }
0x139: {  	_ = 	snop  }
0x13a: {  	[tilespmem:s29], [sflag:$0x2] =	stream.indirect_vreg.gather [hbm4b:s2+s3], $0x80, v3, vm0, $0xb8;
	[tilespmem:$0x18100] =	vst v63  }
0x13b: {  	_ = 	snop  }
0x13c: {  	[tilespmem:s30], [sflag:$0x2] =	stream.indirect_vreg.gather [hbm4b:s4+s3], $0x80, v3, vm1, $0xb8;
	[tilespmem:$0x18100] =	vst v63  }
0x13d: {  	_ =	swait.ge [sflag:s31], $0xC000  }
0x13e: {  	[sflag:s31] =	ssyncset.done $0x0  }
0x13f: {  	s9 =	rddreg [dreg:$0x4];
	[sflag:s31] =	ssyncadd.s32 $0xFFFF4000  }
0x140: {  	[hbm4b:s9+s3] =	stream.linear.scatter [tilespmem:s7], [sflag:$0x3], $0xC000, $0x38;
	[tilespmem:$0x18100] =	vst v63  }
0x141: {  	_ =	swait.ge [sflag:s6], $0xC000  }
0x142: {  	[sflag:s6] =	ssyncset.done $0x0  }
0x143: {  	[sflag:s6] =	ssyncadd.s32 $0xFFFF4000  }
0x144: {  	_ =	swait.ge [sflag:s1], $0xC000  }
0x145: {  	p0 =	sne.s32 s5, $0x1;
	[sflag:s1] =	ssyncset.done $0x0  }
.Ltmp0:
0x146: {  	s9 =	rddreg [dreg:$0x5];
	[sflag:s1] =	ssyncadd.s32 $0xFFFF4000;
	(pc) =	sbr.rel @p0 .LBB2_1-.Ltmp0, $4  }
0x147: {  	[hbm4b:s9+s3] =	stream.linear.scatter [tilespmem:s8], [sflag:$0x3], $0xC000, $0x38;
	[tilespmem:$0x18100] =	vst v63  }
0x148: {  	_ =	swait.ge [sflag:s6], $0xC000  }
0x149: {  	[sflag:s6] =	ssyncset.done $0x0  }
0x14a: {  	s5 =	sadd.s32 $0xFFFFFFFF, s5;
	[sflag:s6] =	ssyncadd.s32 $0xFFFF4000  }
0x14b: {  	_ =	sfence.sel $0x180000  }
0x14c: {  	[bflag:$0x0] =	sbarrier.arrive $0xFFFF  }
0x14d: {  	_ =	strace $0x9000004A  }
0x14e: {  	s0 =	stileid.u32;
	[bflag:$0x2] =	sbarrier.arrive $0xFFFF  }
0x14f: {  	p0 =	sne.s32 s0, $0x0;
	s0 =	rddreg [dreg:$0x2]  }
0x150: {  	s0 =	sadd.s32 @!p0 $0x100000, s0  }
0x151: {  	[sflag:s0] =	ssyncadd.tile.s32 @!p0 $0x1;
	_ =	shalt  }
.Lfunc_end2:
_tile_overlayer_lowered:
.L_overlay_start_2:
0x152: {  	(tag) =	ssettag $0x2  }
0x153: {  	s0 =	rddreg [dreg:$0x0];
	s2 =	stileid.u32  }
0x154: {  	s1 =	rddreg [dreg:$0x1];
	p0 =	sne.s32 s2, $0x0  }
0x155: {  	s3 =	rddreg [dreg:$0x2];
	[bflag:$0x3] =	sbarrier.arrive $0xFFFF;
	s2 =	simm.s32 @!p0 $0x1C03  }
0x156: {  	[timem:s3], [sflag:s2] =	dma.local @!p0 [hbm:s0], s1  }
0x157: {  	s0 =	simm.s32 @!p0 $0x3  }
0x158: {  	_ =	swait.ge @!p0 [sflag:s0], s1  }
0x159: {  	s1 =	ssub.s32 @!p0 $0x0, s1;
	[sflag:s0] =	ssyncset.done @!p0 $0x0  }
0x15a: {  	[sflag:s0] =	ssyncadd.s32 @!p0 s1  }
0x15b: {  	[bflag:$0x3] =	sbarrier.arrive $0xFFFF  }
0x15c: {  	_ =	shalt  }

// kernel: kernel.7.cloned.1.call-start
scs
__scs_entry_jumppad:
0x0: {  	(pc) =	sbr.rel $0x88, $3  }
0x1: {  	(tag) =	ssettag $0x0;
	lr =	simm.s32 $0x1  }
0x2: {  	[smem:$0x3F9D] =	sst lr;
	_ =	strace $0xD0000000  }
0x3: {  	_ = 	snop  }
0x4: {  	_ = 	snop  }
0x5: {  	_ = 	snop  }
0x6: {  	_ = 	snop  }
0x7: {  	_ = 	snop  }
__scs_overlays_trampoline_lowered:
0x8: {  	[smem:$0x3FAC] =	sst s0  }
0x9: {  	[smem:$0x3FAD] =	sst s1  }
0xa: {  	[smem:$0x3FAE] =	sst s2  }
0xb: {  	[smem:$0x3FAF] =	sst s3  }
0xc: {  	[smem:$0x3FB0] =	sst s4  }
0xd: {  	[smem:$0x3FB1] =	sst s5  }
0xe: {  	[smem:$0x3FB2] =	sst s6  }
0xf: {  	[smem:$0x3FB3] =	sst s7  }
0x10: {  	[smem:$0x3FB4] =	sst s8  }
0x11: {  	[smem:$0x3FB5] =	sst s9;
	s0 =	simm.s32 @!p0 $0x0  }
0x12: {  	s1 =	sld [smem:$0x3F9B];
	s0 =	simm.s32 @p0 $0x1  }
0x13: {  	[smem:$0x3FB6] =	sst s0;
	s0 =	simm.s32 @!p1 $0x0  }
0x14: {  	s2 =	sld [smem:$0x3F9A];
	s0 =	simm.s32 @p1 $0x1  }
0x15: {  	[smem:$0x3FB7] =	sst s0;
	s0 =	simm.s32 @!p2 $0x0  }
0x16: {  	s3 =	sld [smem:$0x3FDB];
	s0 =	simm.s32 @p2 $0x1  }
0x17: {  	s4 =	simm.s32 $0x1BF5;
	[smem:$0x3FB9] =	sst s0  }
0x18: {  	s0 =	sld [smem:$0x3F9C];
	_ =	swait.ge [sflag:s4], $0x0  }
0x19: {  	s7 =	sld [smem:$0x3F9D]  }
0x1a: {  	s8 =	sadd.s32 $0xFFFFE003, lr  }
0x1b: {  	s9 =	sadd.s32 $0xFFFFFEF7, lr;
	s5 =	simm.s32 $0xFFFFFFFF;
	p2 =	slt.u32 s8, $0xFFFFF086  }
0x1c: {  	p1 =	slt.u32 s9, $0xF7A;
	s5 =	simm.s32 @!p2 $0x0  }
0x1d: {  	s5 =	simm.s32 @p1 $0x1;
	p0 =	seq.s32 s7, s2  }
0x1e: {  	s7 =	smul.u32 @!p0 $0xF7A, s2;
	p2 =	seq.s32 @!p0 s5, $0x0  }
0x1f: {  	s9 =	smul.u32 $0xF7A, s1;
	s8 =	simm.s32 @!p0 $0x1BF5;
	p2 =	por !p2, p0  }
0x20: {  	[sflag:s8] =	ssyncset.s32 @!p0 $0xFFFFF086;
	s6 =	sadd.s32 @!p0 s3, s7;
	s7 =	simm.s32 @!p0 $0x108  }
0x21: {  	s3 =	sadd.s32 s3, s9;
	s6 =	sadd.s32 @!p0 $0x88, s6;
	s7 =	simm.s32 @p2 $0x1082  }
0x22: {  	[simem:s7], [sflag:s8] =	dma.local @!p0 [hbm:s6], $0xF7A  }
0x23: {  	s9 =	sor.u32 $0xD0000000, s2;
	s6 =	simm.s32 $0x108;
	_ =	swait.ge @!p0 [sflag:s8], $0x0  }
0x24: {  	s3 =	sadd.s32 $0x88, s3;
	s6 =	simm.s32 @!p1 $0x1082;
	[sflag:s4] =	ssyncset.s32 $0xFFFFF086  }
0x25: {  	[simem:s6], [sflag:s4] =	dma.local [hbm:s3], $0xF7A  }
0x26: {  	[smem:$0x3F9D] =	sst s1;
	(tag) =	ssettag s2;
	_ =	strace s9  }
0x27: {  	s1 =	sld [smem:$0x3FAD]  }
0x28: {  	s2 =	sld [smem:$0x3FAE]  }
0x29: {  	s4 =	sld [smem:$0x3FB0]  }
0x2a: {  	p0 =	seq.s32 s5, $0x0;
	s5 =	sld [smem:$0x3FB1]  }
0x2b: {  	s6 =	sld [smem:$0x3FB2]  }
0x2c: {  	s7 =	sld [smem:$0x3FB3]  }
0x2d: {  	s3 =	simm.s32 $0x108;
	s8 =	sld [smem:$0x3FB4]  }
0x2e: {  	s3 =	simm.s32 @!p0 $0x1082;
	s9 =	sld [smem:$0x3FB5]  }
0x2f: {  	lr =	sadd.s32 s0, s3;
	s0 =	sld [smem:$0x3FAC]  }
0x30: {  	s3 =	sld [smem:$0x3FAF]  }
0x31: {  	[smem:$0x3FB8] =	sst s10  }
0x32: {  	s10 =	sld [smem:$0x3FB6];
	_ =	sdelay $0x3  }
0x33: {  	p0 =	seq.s32 s10, $0x1;
	s10 =	sld [smem:$0x3FB8];
	_ =	sdelay $0x3  }
0x34: {  	[smem:$0x3FB8] =	sst s10  }
0x35: {  	s10 =	sld [smem:$0x3FB7];
	_ =	sdelay $0x3  }
0x36: {  	p1 =	seq.s32 s10, $0x1;
	s10 =	sld [smem:$0x3FB8];
	_ =	sdelay $0x3  }
0x37: {  	[smem:$0x3FB8] =	sst s10  }
0x38: {  	s10 =	sld [smem:$0x3FB9]  }
0x39: {  	_ = 	snop;
	(pc) =	sbr.ind lr, $3  }
0x3a: {  	_ = 	snop  }
0x3b: {  	_ = 	snop  }
0x3c: {  	p2 =	seq.s32 s10, $0x1;
	s10 =	sld [smem:$0x3FB8]  }
0x3d: {  	_ =	shalt  }
0x3e: {  	_ =	shalt  }
0x3f: {  	_ =	shalt  }
0x40: {  	_ =	shalt  }
0x41: {  	_ =	shalt  }
0x42: {  	_ =	shalt  }
0x43: {  	_ =	shalt  }
0x44: {  	_ =	shalt  }
0x45: {  	_ =	shalt  }
0x46: {  	_ =	shalt  }
0x47: {  	_ =	shalt  }
0x48: {  	_ =	shalt  }
0x49: {  	_ =	shalt  }
0x4a: {  	_ =	shalt  }
0x4b: {  	_ =	shalt  }
0x4c: {  	_ =	shalt  }
0x4d: {  	_ =	shalt  }
0x4e: {  	_ =	shalt  }
0x4f: {  	_ =	shalt  }
0x50: {  	_ =	shalt  }
0x51: {  	_ =	shalt  }
0x52: {  	_ =	shalt  }
0x53: {  	_ =	shalt  }
0x54: {  	_ =	shalt  }
0x55: {  	_ =	shalt  }
0x56: {  	_ =	shalt  }
0x57: {  	_ =	shalt  }
0x58: {  	_ =	shalt  }
0x59: {  	_ =	shalt  }
0x5a: {  	_ =	shalt  }
0x5b: {  	_ =	shalt  }
0x5c: {  	_ =	shalt  }
0x5d: {  	_ =	shalt  }
0x5e: {  	_ =	shalt  }
0x5f: {  	_ =	shalt  }
0x60: {  	_ =	shalt  }
0x61: {  	_ =	shalt  }
0x62: {  	_ =	shalt  }
0x63: {  	_ =	shalt  }
0x64: {  	_ =	shalt  }
0x65: {  	_ =	shalt  }
0x66: {  	_ =	shalt  }
0x67: {  	_ =	shalt  }
0x68: {  	_ =	shalt  }
0x69: {  	_ =	shalt  }
0x6a: {  	_ =	shalt  }
0x6b: {  	_ =	shalt  }
0x6c: {  	_ =	shalt  }
0x6d: {  	_ =	shalt  }
0x6e: {  	_ =	shalt  }
0x6f: {  	_ =	shalt  }
0x70: {  	_ =	shalt  }
0x71: {  	_ =	shalt  }
0x72: {  	_ =	shalt  }
0x73: {  	_ =	shalt  }
0x74: {  	_ =	shalt  }
0x75: {  	_ =	shalt  }
0x76: {  	_ =	shalt  }
0x77: {  	_ =	shalt  }
0x78: {  	_ =	shalt  }
0x79: {  	_ =	shalt  }
0x7a: {  	_ =	shalt  }
0x7b: {  	_ =	shalt  }
0x7c: {  	_ =	shalt  }
0x7d: {  	_ =	shalt  }
0x7e: {  	_ =	shalt  }
0x7f: {  	_ =	shalt  }
0x80: {  	_ =	shalt  }
0x81: {  	_ =	shalt  }
0x82: {  	_ =	shalt  }
0x83: {  	_ =	shalt  }
0x84: {  	_ =	shalt  }
0x85: {  	_ =	shalt  }
0x86: {  	_ =	shalt  }
0x87: {  	_ =	shalt  }
.Lfunc_end0:
.L_simem_size_0:
called_computation_lowered:
.L_overlay_start_0:
0x88: {  	s2 =	sld [smem:$0x3FD9]  }
0x89: {  	s3 =	sld [smem:$0x3FFE];
	_ =	sdelay $0x1  }
0x8a: {  	s1 =	srdreg.scid  }
0x8b: {  	s0 =	sand.u32 $0x1, s1  }
0x8c: {  	s17 =	sshll.u32 s0, $0xA;
	s2 =	sadd.s32 s3, s2  }
0x8d: {  	s2 =	sadd.s32 s2, s17  }
0x8e: {  	[smem:$0x3FC4] =	sst s2  }
0x8f: {  	_ = 	snop  }
0x90: {  	s2 =	sld [smem:$0x3FD0];
	(tm) =	ssettm $0x1  }
0x91: {  	s18 =	sld [smem:$0x3FFB];
	_ =	sdelay $0x3  }
0x92: {  	_ =	strace s18  }
0x93: {  	s3 =	sld [smem:$0x3FFC];
	_ =	sdelay $0x3  }
0x94: {  	_ =	strace s3  }
0x95: {  	s3 =	sld [smem:$0x3FFD];
	_ =	sdelay $0x3  }
0x96: {  	_ =	strace s3  }
0x97: {  	_ =	strace $0x8FFFFFFF  }
0x98: {  	s19 =	sld [smem:$0x3FDB];
	_ =	sdelay $0x1  }
0x99: {  	s4 =	simm.s32 $_scs_section_size  }
0x9a: {  	s5 =	simm.s32 $_size__tile_overlayer_lowered;
	s6 =	simm.s32 $_tile_overlayer_lowered  }
0x9b: {  	s22 =	simm.s32 $0x1BFF;
	s21 =	sshll.u32 s6, $0x1;
	s3 =	sadd.s32 s4, s19  }
0x9c: {  	s7 =	simm.s32 $0x0;
	s20 =	sshll.u32 s5, $0x1;
	s5 =	sadd.s32 s21, s3  }
0x9d: {  	[timem:s7], [sflag:s22] =	dma.local [hbm:s5], s20  }
0x9e: {  	_ =	swait.ge [sflag:s22], s20  }
0x9f: {  	s4 =	ssub.s32 $0x0, s20;
	[sflag:s22] =	ssyncset.done $0x0  }
0xa0: {  	[sflag:s22] =	ssyncadd.s32 s4;
	_ =	sdelay $0x1  }
0xa1: {  	s23 =	simm.s32 $0x1B8B  }
0xa2: {  	_ =	swait.ge [sflag:s23], $0x1  }
0xa3: {  	[sflag:s23] =	ssyncset.done $0x0  }
0xa4: {  	s25 =	simm.s32 $0x1B8E;
	s24 =	sld [smem:$0x3FFE];
	[sflag:s23] =	ssyncadd.s32 $0xFFFFFFFF  }
0xa5: {  	s26 =	simm.s32 $execute0_lowered;
	[smem:$0x3FD2] =	sst s25  }
0xa6: {  	s5 =	sshll.u32 s26, $0x1;
	_ =	strace $0x80000046;
	[dreg:$0x1] =	wrdreg $0xFFFFFFFF  }
0xa7: {  	s28 =	simm.s32 $_size_execute0_lowered;
	s3 =	sadd.s32 s3, s5;
	[dreg:$0x0] =	wrdreg $0x0  }
0xa8: {  	s5 =	sshll.u32 s28, $0x1;
	[dreg:$0x2] =	wrdreg s3  }
0xa9: {  	[dreg:$0x3] =	wrdreg s5  }
0xaa: {  	[dreg:$0x4] =	wrdreg $0xC0  }
0xab: {  	_ =	task [dreg:s7], $0x5FFFF  }
0xac: {  	[dreg:$0x1] =	wrdreg $0xFFFFFFFF  }
0xad: {  	[dreg:$0x0] =	wrdreg $0x60  }
0xae: {  	[dreg:$0x2] =	wrdreg s24  }
0xaf: {  	[dreg:$0x3] =	wrdreg s2  }
0xb0: {  	[dreg:$0x4] =	wrdreg $0x9  }
0xb1: {  	_ =	task.clear_ibuf [dreg:s7], $0x5FFFF;
	_ =	strace $0x90000046  }
0xb2: {  	s29 =	simm.s32 $0x9;
	_ =	strace $0x80000048  }
0xb3: {  	_ =	swait.ge [sflag:s29], $0x1  }
0xb4: {  	[sflag:s29] =	ssyncadd.s32 $0xFFFFFFFF  }
0xb5: {  	_ =	strace $0x90000048  }
0xb6: {  	_ =	sfence  }
0xb7: {  	s30 =	sld [smem:$0x0];
	_ =	sdelay $0x2  }
0xb8: {  	s31 =	sshll.u32 s1, $0xD;
	s1 =	sshrl.u32 s1, $0x2  }
0xb9: {  	s3 =	sand.u32 $0x4000, s31;
	s1 =	sadd.s32 s1, s30  }
0xba: {  	s0 =	sor.u32 s3, s0;
	s1 =	sshll.u32 s1, $0x11  }
0xbb: {  	s0 =	sor.u32 s1, s0  }
0xbc: {  	s0 =	sadd.s32 $0x8F2B, s0  }
0xbd: {  	[sflag:s0] =	ssyncadd.remote.s32 $0x1  }
0xbe: {  	_ =	sfence.sel $0xFFFF  }
0xbf: {  	[dreg:$0x0] =	wrdreg $0xFFFFFFFF;
	(pc) =	sbr.abs _section_cstart, $3  }
0xc0: {  	[dreg:$0x1] =	wrdreg $0xFFFFFFFF  }
0xc1: {  	_ =	task.clear_ibuf [dreg:s7], $0x2FFFF;
	_ =	strace $0x9FFFFFFF  }
0xc2: {  	(tm) =	ssettm $0x7FFFFFFF  }
0xc3: {  	_ =	shalt  }
tec
execute0_lowered:
.L_overlay_start_1:
0x0: {  	(tag) =	ssettag $0x1  }
0x1: {  	s4 =	rddreg [dreg:$0x0]  }
0x2: {  	s2 =	rddreg [dreg:$0x1];
	s3 =	simm.s32 $0x0  }
0x3: {  	s8 =	simm.s32 $0x900;
	[smem:$0x7FF] =	sst s3  }
0x4: {  	s9 =	simm.s32 $0xD00;
	_ =	strace $0x80000047;
	[dreg:$0x6] =	wrdreg s8  }
0x5: {  	s10 =	simm.s32 $0x1500;
	[dreg:$0x7] =	wrdreg s9  }
0x6: {  	s11 =	simm.s32 $0x1900;
	[dreg:$0x8] =	wrdreg s10  }
0x7: {  	s12 =	simm.s32 $0x2100;
	[dreg:$0x9] =	wrdreg s11  }
0x8: {  	s13 =	simm.s32 $0x2500;
	[dreg:$0xa] =	wrdreg s12  }
0x9: {  	s14 =	simm.s32 $0x2D00;
	[dreg:$0xb] =	wrdreg s13  }
0xa: {  	s15 =	simm.s32 $0x3100;
	[dreg:$0xc] =	wrdreg s14  }
0xb: {  	s16 =	simm.s32 $0x3900;
	[dreg:$0xd] =	wrdreg s15  }
0xc: {  	s17 =	simm.s32 $0x3D00;
	[dreg:$0xe] =	wrdreg s16  }
0xd: {  	s18 =	simm.s32 $0x4500;
	[dreg:$0xf] =	wrdreg s17  }
0xe: {  	s19 =	simm.s32 $0x4900;
	[dreg:$0x10] =	wrdreg s18  }
0xf: {  	s20 =	simm.s32 $0x5100;
	[dreg:$0x11] =	wrdreg s19  }
0x10: {  	s21 =	simm.s32 $0x5500;
	[dreg:$0x12] =	wrdreg s20  }
0x11: {  	s22 =	simm.s32 $0x5D00;
	[dreg:$0x13] =	wrdreg s21  }
0x12: {  	s23 =	simm.s32 $0x6100;
	[dreg:$0x14] =	wrdreg s22  }
0x13: {  	s24 =	simm.s32 $0x6900;
	[dreg:$0x15] =	wrdreg s23  }
0x14: {  	s25 =	simm.s32 $0x6D00;
	[dreg:$0x16] =	wrdreg s24  }
0x15: {  	s0 =	stileid.u32;
	s26 =	simm.s32 $0x7500;
	[dreg:$0x17] =	wrdreg s25  }
0x16: {  	s5 =	sshll.u32 s0, $0x1;
	s0 =	simm.s32 $0x7900;
	[dreg:$0x18] =	wrdreg s26  }
0x17: {  	[dreg:$0x19] =	wrdreg s0;
	s8 =	simm.s32 $0x9100  }
0x18: {  	s9 =	simm.s32 $0x9900;
	[dreg:$0x1d] =	wrdreg s8  }
0x19: {  	s10 =	simm.s32 $0x9D00;
	[dreg:$0x1e] =	wrdreg s9  }
0x1a: {  	s11 =	simm.s32 $0xA500;
	[dreg:$0x1f] =	wrdreg s10  }
0x1b: {  	s12 =	simm.s32 $0xA900;
	[smem:$0x7EF] =	sst s11  }
0x1c: {  	s13 =	simm.s32 $0xB100;
	[smem:$0x7F0] =	sst s12  }
0x1d: {  	s14 =	simm.s32 $0xB500;
	[smem:$0x7F1] =	sst s13  }
0x1e: {  	s1 =	srdreg.scid;
	s15 =	simm.s32 $0xBD00;
	[smem:$0x7F2] =	sst s14  }
0x1f: {  	s28 =	simm.s32 $0x17100;
	s16 =	simm.s32 $0xC900;
	[smem:$0x7F3] =	sst s15  }
0x20: {  	s29 =	simm.s32 $0x17500;
	s17 =	simm.s32 $0xCD00;
	[smem:$0x7F4] =	sst s16  }
0x21: {  	s30 =	simm.s32 $0x17D00;
	s18 =	simm.s32 $0xD500;
	[smem:$0x7F5] =	sst s17  }
0x22: {  	s31 =	simm.s32 $0x1;
	s20 =	simm.s32 $0xD900;
	[smem:$0x7F6] =	sst s18  }
0x23: {  	s1 =	sand.u32 $0x1, s1;
	s21 =	simm.s32 $0xE100;
	[smem:$0x7F7] =	sst s20  }
0x24: {  	s5 =	sor.u32 s1, s5;
	s22 =	simm.s32 $0xE500;
	[smem:$0x7F8] =	sst s21  }
0x25: {  	s1 =	ssub.s32 $0x2, s1;
	s23 =	simm.s32 $0xED00;
	[smem:$0x7F9] =	sst s22  }
0x26: {  	s24 =	simm.s32 $0xF100;
	s25 =	simm.s32 $0xF900;
	[smem:$0x7FA] =	sst s23  }
0x27: {  	s26 =	simm.s32 $0xFD00;
	s7 =	smul.u32 $0x18000, s5;
	[smem:$0x7FB] =	sst s24  }
0x28: {  	s6 =	sshll.u32 s5, $0x5;
	s5 =	smul.u32 $0x3000, s5;
	[smem:$0x7FC] =	sst s25  }
0x29: {  	s19 =	sshrl.u32 s1, $0x1;
	s8 =	simm.s32 $0xC100;
	[smem:$0x7FD] =	sst s26  }
0x2a: {  	s10 =	simm.s32 $0x10900;
	s11 =	simm.s32 $0x11100;
	s12 =	simm.s32 $0x11500  }
0x2b: {  	s13 =	simm.s32 $0x11D00;
	s14 =	simm.s32 $0x12100;
	s15 =	simm.s32 $0x12900  }
0x2c: {  	s16 =	simm.s32 $0x12D00;
	s17 =	simm.s32 $0x13500;
	s18 =	simm.s32 $0x13900  }
0x2d: {  	s20 =	simm.s32 $0x14500;
	s21 =	simm.s32 $0x14D00;
	s22 =	simm.s32 $0x15100  }
0x2e: {  	s23 =	simm.s32 $0x15900;
	s24 =	simm.s32 $0x15D00;
	s6 =	sadd.s32 s6, s4  }
0x2f: {  	s25 =	simm.s32 $0x16500;
	s4 =	sadd.s32 $0x1800, s4;
	s6 =	sadd.s32 $0x61800, s6  }
0x30: {  	s26 =	simm.s32 $0x16900;
	s5 =	sadd.s32 s4, s5;
	[dreg:$0x3] =	wrdreg s6  }
0x31: {  	s1 =	ssub.s32 s1, s19;
	[dreg:$0x4] =	wrdreg s5;
	s5 =	simm.s32 $0x8100  }
0x32: {  	s7 =	sshrl.u32 s7, $0x3;
	s6 =	simm.s32 $0x8500;
	[dreg:$0x1a] =	wrdreg s5  }
0x33: {  	s4 =	sadd.s32 s4, s7;
	s7 =	simm.s32 $0x8D00;
	[dreg:$0x1b] =	wrdreg s6  }
0x34: {  	v2 =	vlaneseq.u32;
	s19 =	simm.s32 $0x14100;
	s4 =	sadd.s32 $0x1800, s4;
	[dreg:$0x1c] =	wrdreg s7  }
0x35: {  	vm0 =	vmmov $0xffff;
	vm1 =	vmmov $0xff;
	v1 =	vshrl.u32 v2, $0x3;
	s5 =	smax.u32 s1, $0x1;
	s6 =	simm.s32 $0x3;
	s7 =	simm.s32 $0x100  }
0x36: {  	v0 =	vand.u32 $0x7, v2;
	v2 =	vor.u32 $0x8, v2;
	v1 =	vmul.u32 $0x8, v1;
	s1 =	simm.s32 $0x2;
	[dreg:$0x5] =	wrdreg s4;
	s4 =	sadd.s32 $0x100, s2  }
.LBB2_1:
0x37: {  	s0 =	rddreg [dreg:$0x3]  }
0x38: {  	[tilespmem:s3], [sflag:$0x3] =	stream.linear.gather [hbm4b:s0+s3], $0x100, $0x38;
	[tilespmem:$0x18100] =	vst v63  }
0x39: {  	_ =	swait.ge [sflag:s6], $0x100  }
0x3a: {  	[sflag:s6] =	ssyncset.done $0x0  }
0x3b: {  	s9 =	rddreg [dreg:$0x4];
	[sflag:s6] =	ssyncadd.s32 $0xFFFFFF00  }
0x3c: {  	[tilespmem:s7], [sflag:$0x3] =	stream.linear.gather [hbm4b:s9+s3], $0xC000, $0x38;
	[tilespmem:$0x18100] =	vst v63  }
0x3d: {  	_ =	swait.ge [sflag:s6], $0xC000  }
0x3e: {  	[sflag:s6] =	ssyncset.done $0x0  }
0x3f: {  	[sflag:s6] =	ssyncadd.s32 $0xFFFF4000  }
0x40: {  	v3 =	vld [tilespmem:$0x0];
	_ =	sdelay $0x4  }
0x41: {  	v4 =	vshrl.u32 v3, $0x3  }
0x42: {  	v4 =	vmul.u32 $0x18, v4  }
0x43: {  	v3 =	vand.u32 $0x7, v3  }
0x44: {  	v3 =	vor.u32 v3, v4  }
0x45: {  	v4 =	vperm.xlane v3, v0;
	_ =	sdelay $0x1  }
0x46: {  	v4 =	vadd.s32 v1, v4;
	_ =	sdelay $0x1  }
0x47: {  	v3 =	vperm.xlane v3, v2;
	_ =	sdelay $0x1  }
0x48: {  	v3 =	vadd.s32 v1, v3  }
0x49: {  	[hbm4b:s2+s3] =	stream.indirect_vreg.scatter [tilespmem:s7], [sflag:$0x1], $0x80, v4, vm0, $0xb8;
	[tilespmem:$0x18100] =	vst v63  }
0x4a: {  	s0 =	rddreg [dreg:$0x6]  }
0x4b: {  	[hbm4b:s4+s3] =	stream.indirect_vreg.scatter [tilespmem:s0], [sflag:$0x1], $0x80, v4, vm1, $0xb8;
	[tilespmem:$0x18100] =	vst v63  }
0x4c: {  	s9 =	rddreg [dreg:$0x7]  }
0x4d: {  	[hbm4b:s2+s3] =	stream.indirect_vreg.scatter [tilespmem:s9], [sflag:$0x1], $0x80, v3, vm0, $0xb8;
	[tilespmem:$0x18100] =	vst v63  }
0x4e: {  	s0 =	rddreg [dreg:$0x8]  }
0x4f: {  	[hbm4b:s4+s3] =	stream.indirect_vreg.scatter [tilespmem:s0], [sflag:$0x1], $0x80, v3, vm1, $0xb8;
	[tilespmem:$0x18100] =	vst v63  }
0x50: {  	v3 =	vld [tilespmem:$0x10];
	_ =	sdelay $0x4  }
0x51: {  	v49 =	vshrl.u32 v3, $0x3  }
0x52: {  	v4 =	vmul.u32 $0x18, v49  }
0x53: {  	v3 =	vand.u32 $0x7, v3  }
0x54: {  	v3 =	vor.u32 v3, v4  }
0x55: {  	v4 =	vperm.xlane v3, v0;
	_ =	sdelay $0x1  }
0x56: {  	v4 =	vadd.s32 v1, v4;
	_ =	sdelay $0x1  }
0x57: {  	v3 =	vperm.xlane v3, v2;
	_ =	sdelay $0x1  }
0x58: {  	s0 =	rddreg [dreg:$0x9];
	v3 =	vadd.s32 v1, v3  }
0x59: {  	[hbm4b:s2+s3] =	stream.indirect_vreg.scatter [tilespmem:s0], [sflag:$0x1], $0x80, v4, vm0, $0xb8;
	[tilespmem:$0x18100] =	vst v63  }
0x5a: {  	s9 =	rddreg [dreg:$0xa]  }
0x5b: {  	[hbm4b:s4+s3] =	stream.indirect_vreg.scatter [tilespmem:s9], [sflag:$0x1], $0x80, v4, vm1, $0xb8;
	[tilespmem:$0x18100] =	vst v63  }
0x5c: {  	s0 =	rddreg [dreg:$0xb]  }
0x5d: {  	[hbm4b:s2+s3] =	stream.indirect_vreg.scatter [tilespmem:s0], [sflag:$0x1], $0x80, v3, vm0, $0xb8;
	[tilespmem:$0x18100] =	vst v63  }
0x5e: {  	s9 =	rddreg [dreg:$0xc]  }
0x5f: {  	[hbm4b:s4+s3] =	stream.indirect_vreg.scatter [tilespmem:s9], [sflag:$0x1], $0x80, v3, vm1, $0xb8;
	[tilespmem:$0x18100] =	vst v63  }
0x60: {  	v3 =	vld [tilespmem:$0x20];
	_ =	sdelay $0x4  }
0x61: {  	v50 =	vshrl.u32 v3, $0x3  }
0x62: {  	v4 =	vmul.u32 $0x18, v50  }
0x63: {  	v3 =	vand.u32 $0x7, v3  }
0x64: {  	v3 =	vor.u32 v3, v4  }
0x65: {  	v4 =	vperm.xlane v3, v0;
	_ =	sdelay $0x1  }
0x66: {  	v4 =	vadd.s32 v1, v4;
	_ =	sdelay $0x1  }
0x67: {  	v3 =	vperm.xlane v3, v2;
	_ =	sdelay $0x1  }
0x68: {  	s0 =	rddreg [dreg:$0xd];
	v3 =	vadd.s32 v1, v3  }
0x69: {  	[hbm4b:s2+s3] =	stream.indirect_vreg.scatter [tilespmem:s0], [sflag:$0x1], $0x80, v4, vm0, $0xb8;
	[tilespmem:$0x18100] =	vst v63  }
0x6a: {  	s9 =	rddreg [dreg:$0xe]  }
0x6b: {  	[hbm4b:s4+s3] =	stream.indirect_vreg.scatter [tilespmem:s9], [sflag:$0x1], $0x80, v4, vm1, $0xb8;
	[tilespmem:$0x18100] =	vst v63  }
0x6c: {  	s0 =	rddreg [dreg:$0xf]  }
0x6d: {  	[hbm4b:s2+s3] =	stream.indirect_vreg.scatter [tilespmem:s0], [sflag:$0x1], $0x80, v3, vm0, $0xb8;
	[tilespmem:$0x18100] =	vst v63  }
0x6e: {  	s9 =	rddreg [dreg:$0x10]  }
0x6f: {  	[hbm4b:s4+s3] =	stream.indirect_vreg.scatter [tilespmem:s9], [sflag:$0x1], $0x80, v3, vm1, $0xb8;
	[tilespmem:$0x18100] =	vst v63  }
0x70: {  	v3 =	vld [tilespmem:$0x30];
	_ =	sdelay $0x4  }
0x71: {  	v51 =	vshrl.u32 v3, $0x3  }
0x72: {  	v4 =	vmul.u32 $0x18, v51  }
0x73: {  	v3 =	vand.u32 $0x7, v3  }
0x74: {  	v3 =	vor.u32 v3, v4  }
0x75: {  	v4 =	vperm.xlane v3, v0;
	_ =	sdelay $0x1  }
0x76: {  	v4 =	vadd.s32 v1, v4;
	_ =	sdelay $0x1  }
0x77: {  	v3 =	vperm.xlane v3, v2;
	_ =	sdelay $0x1  }
0x78: {  	s0 =	rddreg [dreg:$0x11];
	v3 =	vadd.s32 v1, v3  }
0x79: {  	[hbm4b:s2+s3] =	stream.indirect_vreg.scatter [tilespmem:s0], [sflag:$0x1], $0x80, v4, vm0, $0xb8;
	[tilespmem:$0x18100] =	vst v63  }
0x7a: {  	s9 =	rddreg [dreg:$0x12]  }
0x7b: {  	[hbm4b:s4+s3] =	stream.indirect_vreg.scatter [tilespmem:s9], [sflag:$0x1], $0x80, v4, vm1, $0xb8;
	[tilespmem:$0x18100] =	vst v63  }
0x7c: {  	s0 =	rddreg [dreg:$0x13]  }
0x7d: {  	[hbm4b:s2+s3] =	stream.indirect_vreg.scatter [tilespmem:s0], [sflag:$0x1], $0x80, v3, vm0, $0xb8;
	[tilespmem:$0x18100] =	vst v63  }
0x7e: {  	s9 =	rddreg [dreg:$0x14]  }
0x7f: {  	[hbm4b:s4+s3] =	stream.indirect_vreg.scatter [tilespmem:s9], [sflag:$0x1], $0x80, v3, vm1, $0xb8;
	[tilespmem:$0x18100] =	vst v63  }
0x80: {  	v3 =	vld [tilespmem:$0x40];
	_ =	sdelay $0x4  }
0x81: {  	v52 =	vshrl.u32 v3, $0x3  }
0x82: {  	v4 =	vmul.u32 $0x18, v52  }
0x83: {  	v3 =	vand.u32 $0x7, v3  }
0x84: {  	v3 =	vor.u32 v3, v4  }
0x85: {  	v4 =	vperm.xlane v3, v0;
	_ =	sdelay $0x1  }
0x86: {  	v4 =	vadd.s32 v1, v4;
	_ =	sdelay $0x1  }
0x87: {  	v3 =	vperm.xlane v3, v2;
	_ =	sdelay $0x1  }
0x88: {  	s0 =	rddreg [dreg:$0x15];
	v3 =	vadd.s32 v1, v3  }
0x89: {  	[hbm4b:s2+s3] =	stream.indirect_vreg.scatter [tilespmem:s0], [sflag:$0x1], $0x80, v4, vm0, $0xb8;
	[tilespmem:$0x18100] =	vst v63  }
0x8a: {  	s9 =	rddreg [dreg:$0x16]  }
0x8b: {  	[hbm4b:s4+s3] =	stream.indirect_vreg.scatter [tilespmem:s9], [sflag:$0x1], $0x80, v4, vm1, $0xb8;
	[tilespmem:$0x18100] =	vst v63  }
0x8c: {  	s0 =	rddreg [dreg:$0x17]  }
0x8d: {  	[hbm4b:s2+s3] =	stream.indirect_vreg.scatter [tilespmem:s0], [sflag:$0x1], $0x80, v3, vm0, $0xb8;
	[tilespmem:$0x18100] =	vst v63  }
0x8e: {  	s9 =	rddreg [dreg:$0x18]  }
0x8f: {  	[hbm4b:s4+s3] =	stream.indirect_vreg.scatter [tilespmem:s9], [sflag:$0x1], $0x80, v3, vm1, $0xb8;
	[tilespmem:$0x18100] =	vst v63  }
0x90: {  	v3 =	vld [tilespmem:$0x50];
	_ =	sdelay $0x4  }
0x91: {  	v53 =	vshrl.u32 v3, $0x3  }
0x92: {  	v4 =	vmul.u32 $0x18, v53  }
0x93: {  	v3 =	vand.u32 $0x7, v3  }
0x94: {  	v3 =	vor.u32 v3, v4  }
0x95: {  	v4 =	vperm.xlane v3, v0;
	_ =	sdelay $0x1  }
0x96: {  	v4 =	vadd.s32 v1, v4;
	_ =	sdelay $0x1  }
0x97: {  	v3 =	vperm.xlane v3, v2;
	_ =	sdelay $0x1  }
0x98: {  	s0 =	rddreg [dreg:$0x19];
	v3 =	vadd.s32 v1, v3  }
0x99: {  	[hbm4b:s2+s3] =	stream.indirect_vreg.scatter [tilespmem:s0], [sflag:$0x1], $0x80, v4, vm0, $0xb8;
	[tilespmem:$0x18100] =	vst v63  }
0x9a: {  	s9 =	rddreg [dreg:$0x1a]  }
0x9b: {  	[hbm4b:s4+s3] =	stream.indirect_vreg.scatter [tilespmem:s9], [sflag:$0x1], $0x80, v4, vm1, $0xb8;
	[tilespmem:$0x18100] =	vst v63  }
0x9c: {  	s0 =	rddreg [dreg:$0x1b]  }
0x9d: {  	[hbm4b:s2+s3] =	stream.indirect_vreg.scatter [tilespmem:s0], [sflag:$0x1], $0x80, v3, vm0, $0xb8;
	[tilespmem:$0x18100] =	vst v63  }
0x9e: {  	s9 =	rddreg [dreg:$0x1c]  }
0x9f: {  	[hbm4b:s4+s3] =	stream.indirect_vreg.scatter [tilespmem:s9], [sflag:$0x1], $0x80, v3, vm1, $0xb8;
	[tilespmem:$0x18100] =	vst v63  }
0xa0: {  	v3 =	vld [tilespmem:$0x60];
	_ =	sdelay $0x4  }
0xa1: {  	v54 =	vshrl.u32 v3, $0x3  }
0xa2: {  	v4 =	vmul.u32 $0x18, v54  }
0xa3: {  	v3 =	vand.u32 $0x7, v3  }
0xa4: {  	v3 =	vor.u32 v3, v4  }
0xa5: {  	v4 =	vperm.xlane v3, v0;
	_ =	sdelay $0x1  }
0xa6: {  	v4 =	vadd.s32 v1, v4;
	_ =	sdelay $0x1  }
0xa7: {  	v3 =	vperm.xlane v3, v2  }
0xa8: {  	s0 =	rddreg [dreg:$0x1d]  }
0xa9: {  	s9 =	rddreg [dreg:$0x1e];
	v3 =	vadd.s32 v1, v3  }
0xaa: {  	[hbm4b:s2+s3] =	stream.indirect_vreg.scatter [tilespmem:s0], [sflag:$0x1], $0x80, v4, vm0, $0xb8;
	[tilespmem:$0x18100] =	vst v63  }
0xab: {  	s0 =	rddreg [dreg:$0x1f]  }
0xac: {  	[hbm4b:s4+s3] =	stream.indirect_vreg.scatter [tilespmem:s9], [sflag:$0x1], $0x80, v4, vm1, $0xb8;
	[tilespmem:$0x18100] =	vst v63  }
0xad: {  	s9 =	sld [smem:$0x7EF]  }
0xae: {  	[hbm4b:s2+s3] =	stream.indirect_vreg.scatter [tilespmem:s0], [sflag:$0x1], $0x80, v3, vm0, $0xb8;
	[tilespmem:$0x18100] =	vst v63  }
0xaf: {  	_ = 	snop  }
0xb0: {  	[hbm4b:s4+s3] =	stream.indirect_vreg.scatter [tilespmem:s9], [sflag:$0x1], $0x80, v3, vm1, $0xb8;
	[tilespmem:$0x18100] =	vst v63  }
0xb1: {  	v3 =	vld [tilespmem:$0x70];
	_ =	sdelay $0x4  }
0xb2: {  	v55 =	vshrl.u32 v3, $0x3  }
0xb3: {  	v4 =	vmul.u32 $0x18, v55  }
0xb4: {  	v3 =	vand.u32 $0x7, v3  }
0xb5: {  	v3 =	vor.u32 v3, v4  }
0xb6: {  	v4 =	vperm.xlane v3, v0;
	_ =	sdelay $0x1  }
0xb7: {  	v4 =	vadd.s32 v1, v4;
	_ =	sdelay $0x1  }
0xb8: {  	s0 =	sld [smem:$0x7F0];
	v3 =	vperm.xlane v3, v2;
	_ =	sdelay $0x1  }
0xb9: {  	s9 =	sld [smem:$0x7F1];
	v3 =	vadd.s32 v1, v3  }
0xba: {  	[hbm4b:s2+s3] =	stream.indirect_vreg.scatter [tilespmem:s0], [sflag:$0x1], $0x80, v4, vm0, $0xb8;
	[tilespmem:$0x18100] =	vst v63  }
0xbb: {  	s0 =	sld [smem:$0x7F2]  }
0xbc: {  	[hbm4b:s4+s3] =	stream.indirect_vreg.scatter [tilespmem:s9], [sflag:$0x1], $0x80, v4, vm1, $0xb8;
	[tilespmem:$0x18100] =	vst v63  }
0xbd: {  	s9 =	sld [smem:$0x7F3]  }
0xbe: {  	[hbm4b:s2+s3] =	stream.indirect_vreg.scatter [tilespmem:s0], [sflag:$0x1], $0x80, v3, vm0, $0xb8;
	[tilespmem:$0x18100] =	vst v63  }
0xbf: {  	_ = 	snop  }
0xc0: {  	[hbm4b:s4+s3] =	stream.indirect_vreg.scatter [tilespmem:s9], [sflag:$0x1], $0x80, v3, vm1, $0xb8;
	[tilespmem:$0x18100] =	vst v63  }
0xc1: {  	s0 =	rddreg [dreg:$0x5]  }
0xc2: {  	[tilespmem:s8], [sflag:$0x3] =	stream.linear.gather [hbm4b:s0+s3], $0xC000, $0x38;
	[tilespmem:$0x18100] =	vst v63  }
0xc3: {  	_ =	swait.ge [sflag:s6], $0xC000  }
0xc4: {  	[sflag:s6] =	ssyncset.done $0x0  }
0xc5: {  	[sflag:s6] =	ssyncadd.s32 $0xFFFF4000  }
0xc6: {  	v3 =	vld [tilespmem:$0x80];
	_ =	sdelay $0x4  }
0xc7: {  	v56 =	vshrl.u32 v3, $0x3  }
0xc8: {  	v4 =	vmul.u32 $0x18, v56  }
0xc9: {  	v3 =	vand.u32 $0x7, v3  }
0xca: {  	v3 =	vor.u32 v3, v4  }
0xcb: {  	v4 =	vperm.xlane v3, v0;
	_ =	sdelay $0x1  }
0xcc: {  	v4 =	vadd.s32 v1, v4;
	_ =	sdelay $0x1  }
0xcd: {  	v3 =	vperm.xlane v3, v2;
	_ =	sdelay $0x1  }
0xce: {  	s0 =	sld [smem:$0x7F4];
	v3 =	vadd.s32 v1, v3  }
0xcf: {  	[hbm4b:s2+s3] =	stream.indirect_vreg.scatter [tilespmem:s8], [sflag:$0x2], $0x80, v4, vm0, $0xb8;
	[tilespmem:$0x18100] =	vst v63  }
0xd0: {  	s9 =	sld [smem:$0x7F5]  }
0xd1: {  	[hbm4b:s4+s3] =	stream.indirect_vreg.scatter [tilespmem:s0], [sflag:$0x2], $0x80, v4, vm1, $0xb8;
	[tilespmem:$0x18100] =	vst v63  }
0xd2: {  	s0 =	sld [smem:$0x7F6]  }
0xd3: {  	[hbm4b:s2+s3] =	stream.indirect_vreg.scatter [tilespmem:s9], [sflag:$0x2], $0x80, v3, vm0, $0xb8;
	[tilespmem:$0x18100] =	vst v63  }
0xd4: {  	_ = 	snop  }
0xd5: {  	[hbm4b:s4+s3] =	stream.indirect_vreg.scatter [tilespmem:s0], [sflag:$0x2], $0x80, v3, vm1, $0xb8;
	[tilespmem:$0x18100] =	vst v63  }
0xd6: {  	v3 =	vld [tilespmem:$0x90];
	_ =	sdelay $0x4  }
0xd7: {  	v57 =	vshrl.u32 v3, $0x3  }
0xd8: {  	v4 =	vmul.u32 $0x18, v57  }
0xd9: {  	v3 =	vand.u32 $0x7, v3  }
0xda: {  	v3 =	vor.u32 v3, v4  }
0xdb: {  	v4 =	vperm.xlane v3, v0;
	_ =	sdelay $0x1  }
0xdc: {  	v4 =	vadd.s32 v1, v4;
	_ =	sdelay $0x1  }
0xdd: {  	s0 =	sld [smem:$0x7F7];
	v3 =	vperm.xlane v3, v2;
	_ =	sdelay $0x1  }
0xde: {  	s9 =	sld [smem:$0x7F8];
	v3 =	vadd.s32 v1, v3  }
0xdf: {  	[hbm4b:s2+s3] =	stream.indirect_vreg.scatter [tilespmem:s0], [sflag:$0x2], $0x80, v4, vm0, $0xb8;
	[tilespmem:$0x18100] =	vst v63  }
0xe0: {  	s0 =	sld [smem:$0x7F9]  }
0xe1: {  	[hbm4b:s4+s3] =	stream.indirect_vreg.scatter [tilespmem:s9], [sflag:$0x2], $0x80, v4, vm1, $0xb8;
	[tilespmem:$0x18100] =	vst v63  }
0xe2: {  	s9 =	sld [smem:$0x7FA]  }
0xe3: {  	[hbm4b:s2+s3] =	stream.indirect_vreg.scatter [tilespmem:s0], [sflag:$0x2], $0x80, v3, vm0, $0xb8;
	[tilespmem:$0x18100] =	vst v63  }
0xe4: {  	_ = 	snop  }
0xe5: {  	[hbm4b:s4+s3] =	stream.indirect_vreg.scatter [tilespmem:s9], [sflag:$0x2], $0x80, v3, vm1, $0xb8;
	[tilespmem:$0x18100] =	vst v63  }
0xe6: {  	v3 =	vld [tilespmem:$0xA0];
	_ =	sdelay $0x4  }
0xe7: {  	v58 =	vshrl.u32 v3, $0x3  }
0xe8: {  	v4 =	vmul.u32 $0x18, v58  }
0xe9: {  	v3 =	vand.u32 $0x7, v3  }
0xea: {  	v3 =	vor.u32 v3, v4  }
0xeb: {  	v4 =	vperm.xlane v3, v0;
	_ =	sdelay $0x1  }
0xec: {  	v4 =	vadd.s32 v1, v4;
	_ =	sdelay $0x1  }
0xed: {  	s0 =	sld [smem:$0x7FB];
	v3 =	vperm.xlane v3, v2;
	_ =	sdelay $0x1  }
0xee: {  	s9 =	sld [smem:$0x7FC];
	v3 =	vadd.s32 v1, v3  }
0xef: {  	[hbm4b:s2+s3] =	stream.indirect_vreg.scatter [tilespmem:s0], [sflag:$0x2], $0x80, v4, vm0, $0xb8;
	[tilespmem:$0x18100] =	vst v63  }
0xf0: {  	s0 =	sld [smem:$0x7FD]  }
0xf1: {  	[hbm4b:s4+s3] =	stream.indirect_vreg.scatter [tilespmem:s9], [sflag:$0x2], $0x80, v4, vm1, $0xb8;
	[tilespmem:$0x18100] =	vst v63  }
0xf2: {  	_ = 	snop  }
0xf3: {  	[hbm4b:s2+s3] =	stream.indirect_vreg.scatter [tilespmem:s0], [sflag:$0x2], $0x80, v3, vm0, $0xb8;
	[tilespmem:$0x18100] =	vst v63  }
0xf4: {  	s9 =	simm.s32 $0x10500  }
0xf5: {  	[hbm4b:s4+s3] =	stream.indirect_vreg.scatter [tilespmem:s9], [sflag:$0x2], $0x80, v3, vm1, $0xb8;
	[tilespmem:$0x18100] =	vst v63  }
0xf6: {  	v3 =	vld [tilespmem:$0xB0];
	_ =	sdelay $0x4  }
0xf7: {  	v59 =	vshrl.u32 v3, $0x3  }
0xf8: {  	v4 =	vmul.u32 $0x18, v59  }
0xf9: {  	v3 =	vand.u32 $0x7, v3  }
0xfa: {  	v3 =	vor.u32 v3, v4  }
0xfb: {  	v4 =	vperm.xlane v3, v0;
	_ =	sdelay $0x1  }
0xfc: {  	v4 =	vadd.s32 v1, v4;
	_ =	sdelay $0x1  }
0xfd: {  	v3 =	vperm.xlane v3, v2;
	_ =	sdelay $0x1  }
0xfe: {  	v3 =	vadd.s32 v1, v3  }
0xff: {  	[hbm4b:s2+s3] =	stream.indirect_vreg.scatter [tilespmem:s10], [sflag:$0x2], $0x80, v4, vm0, $0xb8;
	[tilespmem:$0x18100] =	vst v63  }
0x100: {  	_ = 	snop  }
0x101: {  	[hbm4b:s4+s3] =	stream.indirect_vreg.scatter [tilespmem:s11], [sflag:$0x2], $0x80, v4, vm1, $0xb8;
	[tilespmem:$0x18100] =	vst v63  }
0x102: {  	_ = 	snop  }
0x103: {  	[hbm4b:s2+s3] =	stream.indirect_vreg.scatter [tilespmem:s12], [sflag:$0x2], $0x80, v3, vm0, $0xb8;
	[tilespmem:$0x18100] =	vst v63  }
0x104: {  	_ = 	snop  }
0x105: {  	[hbm4b:s4+s3] =	stream.indirect_vreg.scatter [tilespmem:s13], [sflag:$0x2], $0x80, v3, vm1, $0xb8;
	[tilespmem:$0x18100] =	vst v63  }
0x106: {  	v3 =	vld [tilespmem:$0xC0];
	_ =	sdelay $0x4  }
0x107: {  	v60 =	vshrl.u32 v3, $0x3  }
0x108: {  	v4 =	vmul.u32 $0x18, v60  }
0x109: {  	v3 =	vand.u32 $0x7, v3  }
0x10a: {  	v3 =	vor.u32 v3, v4  }
0x10b: {  	v4 =	vperm.xlane v3, v0;
	_ =	sdelay $0x1  }
0x10c: {  	v4 =	vadd.s32 v1, v4;
	_ =	sdelay $0x1  }
0x10d: {  	v3 =	vperm.xlane v3, v2;
	_ =	sdelay $0x1  }
0x10e: {  	v3 =	vadd.s32 v1, v3  }
0x10f: {  	[hbm4b:s2+s3] =	stream.indirect_vreg.scatter [tilespmem:s14], [sflag:$0x2], $0x80, v4, vm0, $0xb8;
	[tilespmem:$0x18100] =	vst v63  }
0x110: {  	_ = 	snop  }
0x111: {  	[hbm4b:s4+s3] =	stream.indirect_vreg.scatter [tilespmem:s15], [sflag:$0x2], $0x80, v4, vm1, $0xb8;
	[tilespmem:$0x18100] =	vst v63  }
0x112: {  	_ = 	snop  }
0x113: {  	[hbm4b:s2+s3] =	stream.indirect_vreg.scatter [tilespmem:s16], [sflag:$0x2], $0x80, v3, vm0, $0xb8;
	[tilespmem:$0x18100] =	vst v63  }
0x114: {  	_ = 	snop  }
0x115: {  	[hbm4b:s4+s3] =	stream.indirect_vreg.scatter [tilespmem:s17], [sflag:$0x2], $0x80, v3, vm1, $0xb8;
	[tilespmem:$0x18100] =	vst v63  }
0x116: {  	v3 =	vld [tilespmem:$0xD0];
	_ =	sdelay $0x4  }
0x117: {  	v61 =	vshrl.u32 v3, $0x3  }
0x118: {  	v4 =	vmul.u32 $0x18, v61  }
0x119: {  	v3 =	vand.u32 $0x7, v3  }
0x11a: {  	v3 =	vor.u32 v3, v4  }
0x11b: {  	v4 =	vperm.xlane v3, v0;
	_ =	sdelay $0x1  }
0x11c: {  	v4 =	vadd.s32 v1, v4;
	_ =	sdelay $0x1  }
0x11d: {  	v3 =	vperm.xlane v3, v2;
	_ =	sdelay $0x1  }
0x11e: {  	v3 =	vadd.s32 v1, v3  }
0x11f: {  	[hbm4b:s2+s3] =	stream.indirect_vreg.scatter [tilespmem:s18], [sflag:$0x2], $0x80, v4, vm0, $0xb8;
	[tilespmem:$0x18100] =	vst v63  }
0x120: {  	_ = 	snop  }
0x121: {  	[hbm4b:s4+s3] =	stream.indirect_vreg.scatter [tilespmem:s19], [sflag:$0x2], $0x80, v4, vm1, $0xb8;
	[tilespmem:$0x18100] =	vst v63  }
0x122: {  	_ = 	snop  }
0x123: {  	[hbm4b:s2+s3] =	stream.indirect_vreg.scatter [tilespmem:s20], [sflag:$0x2], $0x80, v3, vm0, $0xb8;
	[tilespmem:$0x18100] =	vst v63  }
0x124: {  	_ = 	snop  }
0x125: {  	[hbm4b:s4+s3] =	stream.indirect_vreg.scatter [tilespmem:s21], [sflag:$0x2], $0x80, v3, vm1, $0xb8;
	[tilespmem:$0x18100] =	vst v63  }
0x126: {  	v3 =	vld [tilespmem:$0xE0];
	_ =	sdelay $0x4  }
0x127: {  	v62 =	vshrl.u32 v3, $0x3  }
0x128: {  	v4 =	vmul.u32 $0x18, v62  }
0x129: {  	v3 =	vand.u32 $0x7, v3  }
0x12a: {  	v3 =	vor.u32 v3, v4  }
0x12b: {  	v4 =	vperm.xlane v3, v0;
	_ =	sdelay $0x1  }
0x12c: {  	v4 =	vadd.s32 v1, v4;
	_ =	sdelay $0x1  }
0x12d: {  	v3 =	vperm.xlane v3, v2;
	_ =	sdelay $0x1  }
0x12e: {  	v3 =	vadd.s32 v1, v3  }
0x12f: {  	[hbm4b:s2+s3] =	stream.indirect_vreg.scatter [tilespmem:s22], [sflag:$0x2], $0x80, v4, vm0, $0xb8;
	[tilespmem:$0x18100] =	vst v63  }
0x130: {  	_ = 	snop  }
0x131: {  	[hbm4b:s4+s3] =	stream.indirect_vreg.scatter [tilespmem:s23], [sflag:$0x2], $0x80, v4, vm1, $0xb8;
	[tilespmem:$0x18100] =	vst v63  }
0x132: {  	_ = 	snop  }
0x133: {  	[hbm4b:s2+s3] =	stream.indirect_vreg.scatter [tilespmem:s24], [sflag:$0x2], $0x80, v3, vm0, $0xb8;
	[tilespmem:$0x18100] =	vst v63  }
0x134: {  	_ = 	snop  }
0x135: {  	[hbm4b:s4+s3] =	stream.indirect_vreg.scatter [tilespmem:s25], [sflag:$0x2], $0x80, v3, vm1, $0xb8;
	[tilespmem:$0x18100] =	vst v63  }
0x136: {  	v3 =	vld [tilespmem:$0xF0];
	_ =	sdelay $0x4  }
0x137: {  	v63 =	vshrl.u32 v3, $0x3  }
0x138: {  	v4 =	vmul.u32 $0x18, v63  }
0x139: {  	v3 =	vand.u32 $0x7, v3  }
0x13a: {  	v3 =	vor.u32 v3, v4  }
0x13b: {  	v4 =	vperm.xlane v3, v0;
	_ =	sdelay $0x1  }
0x13c: {  	v4 =	vadd.s32 v1, v4;
	_ =	sdelay $0x1  }
0x13d: {  	v3 =	vperm.xlane v3, v2;
	_ =	sdelay $0x1  }
0x13e: {  	v3 =	vadd.s32 v1, v3  }
0x13f: {  	[hbm4b:s2+s3] =	stream.indirect_vreg.scatter [tilespmem:s26], [sflag:$0x2], $0x80, v4, vm0, $0xb8;
	[tilespmem:$0x18100] =	vst v63  }
0x140: {  	_ = 	snop  }
0x141: {  	[hbm4b:s4+s3] =	stream.indirect_vreg.scatter [tilespmem:s28], [sflag:$0x2], $0x80, v4, vm1, $0xb8;
	[tilespmem:$0x18100] =	vst v63  }
0x142: {  	_ = 	snop  }
0x143: {  	[hbm4b:s2+s3] =	stream.indirect_vreg.scatter [tilespmem:s29], [sflag:$0x2], $0x80, v3, vm0, $0xb8;
	[tilespmem:$0x18100] =	vst v63  }
0x144: {  	_ = 	snop  }
0x145: {  	[hbm4b:s4+s3] =	stream.indirect_vreg.scatter [tilespmem:s30], [sflag:$0x2], $0x80, v3, vm1, $0xb8;
	[tilespmem:$0x18100] =	vst v63  }
0x146: {  	p0 =	sne.s32 s5, $0x1;
	_ =	swait.ge [sflag:s31], $0xC000  }
.Ltmp0:
0x147: {  	[sflag:s31] =	ssyncset.done $0x0;
	(pc) =	sbr.rel @p0 .LBB2_1-.Ltmp0, $4  }
0x148: {  	[sflag:s31] =	ssyncadd.s32 $0xFFFF4000  }
0x149: {  	_ =	swait.ge [sflag:s1], $0xC000  }
0x14a: {  	[sflag:s1] =	ssyncset.done $0x0  }
0x14b: {  	s5 =	sadd.s32 $0xFFFFFFFF, s5;
	[sflag:s1] =	ssyncadd.s32 $0xFFFF4000  }
0x14c: {  	_ =	sfence.sel $0x180000  }
0x14d: {  	[bflag:$0x0] =	sbarrier.arrive $0xFFFF  }
0x14e: {  	_ =	strace $0x90000047  }
0x14f: {  	s0 =	stileid.u32;
	[bflag:$0x2] =	sbarrier.arrive $0xFFFF  }
0x150: {  	p0 =	sne.s32 s0, $0x0;
	s0 =	rddreg [dreg:$0x2]  }
0x151: {  	s0 =	sadd.s32 @!p0 $0x100000, s0  }
0x152: {  	[sflag:s0] =	ssyncadd.tile.s32 @!p0 $0x1;
	_ =	shalt  }
.Lfunc_end2:
_tile_overlayer_lowered:
.L_overlay_start_2:
0x153: {  	(tag) =	ssettag $0x2  }
0x154: {  	s0 =	rddreg [dreg:$0x0];
	s2 =	stileid.u32  }
0x155: {  	s1 =	rddreg [dreg:$0x1];
	p0 =	sne.s32 s2, $0x0  }
0x156: {  	s3 =	rddreg [dreg:$0x2];
	[bflag:$0x3] =	sbarrier.arrive $0xFFFF;
	s2 =	simm.s32 @!p0 $0x1C03  }
0x157: {  	[timem:s3], [sflag:s2] =	dma.local @!p0 [hbm:s0], s1  }
0x158: {  	s0 =	simm.s32 @!p0 $0x3  }
0x159: {  	_ =	swait.ge @!p0 [sflag:s0], s1  }
0x15a: {  	s1 =	ssub.s32 @!p0 $0x0, s1;
	[sflag:s0] =	ssyncset.done @!p0 $0x0  }
0x15b: {  	[sflag:s0] =	ssyncadd.s32 @!p0 s1  }
0x15c: {  	[bflag:$0x3] =	sbarrier.arrive $0xFFFF  }
0x15d: {  	_ =	shalt  }

</sc_bundles>
